<compile_context>
chip_gen: v7x
topology: tpu7x:2x2x1
jax: 0.10.2.dev20260603
libtpu: 0.0.44.dev20260713+nightly
codegen_flags: <defaults>
</compile_context>

<pallas_src>
import functools

import jax
import jax.numpy as jnp
from jax import lax
from jax.experimental import pallas as pl
from jax.experimental.pallas import tpu as pltpu
from jax.experimental.pallas import tpu_sc as plsc

B = 16384
D = 128
NC = 2
NS = 16
NW = NC * NS
BPW = B // NW
CH = 128
NCH = BPW // CH
P = 2
NSLOT = 3 * P


def _sc_gather_body(ent_hbm, rel_hbm, src_hbm, out_hbm, src_v, rows_v, *sems):
    wid = lax.axis_index("s") * NC + lax.axis_index("c")
    base = wid * BPW
    pltpu.sync_copy(src_hbm.at[:, pl.ds(wid * NCH, NCH)], src_v)

    tables = (ent_hbm, rel_hbm, ent_hbm)

    def slot(role, chunk):
        return P * role + (chunk % P)

    def gather(role, chunk):
        sl = slot(role, chunk)
        return pltpu.async_copy(
            tables[role].at[src_v.at[role, chunk]],
            rows_v.at[sl], sems[sl])

    def scatter(role, chunk):
        sl = slot(role, chunk)
        return pltpu.async_copy(
            rows_v.at[sl],
            out_hbm.at[role, pl.ds(base + chunk * CH, CH)],
            sems[sl])

    g = {(r, ch): gather(r, ch) for r in range(3) for ch in range(P)}
    s = {}
    for c in range(3 * NCH):
        role, chunk = c % 3, c // 3
        g[(role, chunk)].wait()
        s[(role, chunk)] = scatter(role, chunk)
        if 1 <= chunk and chunk + P - 1 < NCH:
            s[(role, chunk - 1)].wait()
            g[(role, chunk + P - 1)] = gather(role, chunk + P - 1)
    for r in range(3):
        for ch in range(NCH - P, NCH):
            s[(r, ch)].wait()


@jax.jit
def _run(entity_embedding, relation_embedding, src_idx):
    mesh = plsc.VectorSubcoreMesh(core_axis_name="c", subcore_axis_name="s")
    k = functools.partial(
        pl.kernel,
        out_type=jax.ShapeDtypeStruct((3, B, D), jnp.float32),
        mesh=mesh,
        scratch_types=[
            pltpu.VMEM((3, NCH, CH), jnp.int32),
            pltpu.VMEM((NSLOT, CH, D), jnp.float32),
        ] + [pltpu.SemaphoreType.DMA] * NSLOT,
    )(_sc_gather_body)
    out3 = k(entity_embedding, relation_embedding, src_idx)
    return out3.transpose(1, 0, 2)


def kernel(sample, entity_embedding, relation_embedding):
    src_idx = sample.astype(jnp.int32).T.reshape(3, B // CH, CH)
    return _run(entity_embedding, relation_embedding, src_idx)

# --- scband reference (transcript-rebuilt; emitter-appended) ---
"""Pipeline reference for scband-base-model-26860725469682 (READ-ONLY COPY).

The authoritative reference and input builder live on the scoring server;
editing this copy changes nothing except your own understanding.
"""

import jax, jax.numpy as jnp
import numpy as np

NENTITY = 1000000
NRELATION = 100000
E_DIM = 128
R_DIM = 128
GAMMA = 12.0
EPSILON = 2.0
BATCH = 16384


def setup_inputs(seed: int = 0) -> dict:
    key = jax.random.key(seed)
    k1, k2, k3 = jax.random.split(key, 3)
    sample = jax.random.randint(k1, (BATCH, 3), 0, NRELATION, dtype=jnp.int64 if jax.config.jax_enable_x64 else jnp.int32)
    e_range = (GAMMA + EPSILON) / E_DIM
    r_range = (GAMMA + EPSILON) / R_DIM
    entity_embedding = jax.random.uniform(k2, (NENTITY, E_DIM), minval=-e_range, maxval=e_range, dtype=jnp.float32)
    relation_embedding = jax.random.uniform(k3, (NRELATION, R_DIM), minval=-r_range, maxval=r_range, dtype=jnp.float32)
    return {"sample": sample, "entity_embedding": entity_embedding, "relation_embedding": relation_embedding}


def reference(sample, entity_embedding, relation_embedding):
    # mode='single' path: handle_sinle -> get_entitys(sample, 0), get_relations(sample), get_entitys(sample, 2)
    # e_num == r_num == 1, so one gather per role.
    head = jnp.take(entity_embedding, sample[:, 0], axis=0)[:, None, :]      # [B, 1, e_dim]
    relation = jnp.take(relation_embedding, sample[:, 1], axis=0)[:, None, :]  # [B, 1, r_dim]
    tail = jnp.take(entity_embedding, sample[:, 2], axis=0)[:, None, :]      # [B, 1, e_dim]
    # self.score is abstract (pass) in BaseModel; the forward's observable computation
    # is the three embedding gathers. Return them stacked along the middle axis.
    return jnp.concatenate([head, relation, tail], axis=1)                   # [B, 3, dim]

if __name__ == "__main__":
    import jax
    _d = setup_inputs()
    print(jax.jit(kernel)(*tuple(_d.values())))

</pallas_src>

<mosaic_0001>
#map = affine_map<(d0, d1) -> (0, 0)>
#map1 = affine_map<(d0, d1) -> (0, 0, 0)>
module attributes {stable_mosaic.version = 14 : i64} {
  func.func @_sc_gather_body(%arg0: i32, %arg1: i32, %arg2: memref<1000000x128xf32, #tpu.memory_space<hbm>>, %arg3: memref<100000x128xf32, #tpu.memory_space<hbm>>, %arg4: memref<3x128x128xi32, #tpu.memory_space<hbm>>, %arg5: memref<3x16384x128xf32, #tpu.memory_space<hbm>>, %arg6: memref<3x4x128xi32, #tpu.memory_space<vmem>>, %arg7: memref<6x128x128xf32, #tpu.memory_space<vmem>>, %arg8: memref<!tpu.dma_semaphore, #tpu.memory_space<semaphore_mem>>, %arg9: memref<!tpu.dma_semaphore, #tpu.memory_space<semaphore_mem>>, %arg10: memref<!tpu.dma_semaphore, #tpu.memory_space<semaphore_mem>>, %arg11: memref<!tpu.dma_semaphore, #tpu.memory_space<semaphore_mem>>, %arg12: memref<!tpu.dma_semaphore, #tpu.memory_space<semaphore_mem>>, %arg13: memref<!tpu.dma_semaphore, #tpu.memory_space<semaphore_mem>>) attributes {dimension_semantics = [#tpu.dimension_semantics<core_parallel>, #tpu.dimension_semantics<subcore_parallel>], iteration_bounds = array<i64: 2, 16>, scalar_prefetch = 0 : i64, scratch_operands = 8 : i64, tpu.core_type = #tpu.core_type<sc_vector_subcore>, window_params = [{transform_indices = #map}, {transform_indices = #map}, {transform_indices = #map1}, {transform_indices = #map1}]} {
    %mul3A = arith.constant 2 : i32
    %mul3A_0 = arith.muli %arg1, %mul3A : i32
    %add3A = arith.addi %mul3A_0, %arg0 : i32
    %mul3A_1 = arith.constant 512 : i32
    %mul3A_2 = arith.muli %add3A, %mul3A_1 : i32
    %mul3A_3 = arith.constant 4 : i32
    %mul3A_4 = arith.muli %add3A, %mul3A_3 : i32
    "tpu.region"() ({
      %run_scoped3A = tpu.sem_alloc : memref<!tpu.dma_semaphore, #tpu.memory_space<semaphore_mem>>
      %dma_start3A_723 = arith.constant 0 : i32
      %dma_start3A_724 = arith.constant 0 : i32
      %dma_start3A_725 = tpu.memref_slice %arg4[%dma_start3A_723, %mul3A_4, %dma_start3A_724] : memref<3x128x128xi32, #tpu.memory_space<hbm>> -> memref<3x4x128xi32, #tpu.memory_space<hbm>>
      %dma_start3A_726 = arith.constant 0 : i32
      %dma_start3A_727 = arith.constant 0 : i32
      %dma_start3A_728 = tpu.memref_slice %arg4[%dma_start3A_726, %mul3A_4, %dma_start3A_727] : memref<3x128x128xi32, #tpu.memory_space<hbm>> -> memref<3x4x128xi32, #tpu.memory_space<hbm>>
      tpu.enqueue_dma source(%dma_start3A_728 : memref<3x4x128xi32, #tpu.memory_space<hbm>>) target(%arg6 : memref<3x4x128xi32, #tpu.memory_space<vmem>>) target_semaphore(%run_scoped3A : memref<!tpu.dma_semaphore, #tpu.memory_space<semaphore_mem>>)
      %dma_wait3A_729 = arith.constant 0 : i32
      %dma_wait3A_730 = arith.constant 0 : i32
      %dma_wait3A_731 = tpu.memref_slice %arg4[%dma_wait3A_729, %mul3A_4, %dma_wait3A_730] : memref<3x128x128xi32, #tpu.memory_space<hbm>> -> memref<3x4x128xi32, #tpu.memory_space<hbm>>
      %dma_wait3A_732 = arith.constant 0 : i32
      %dma_wait3A_733 = arith.constant 0 : i32
      %dma_wait3A_734 = tpu.memref_slice %arg4[%dma_wait3A_732, %mul3A_4, %dma_wait3A_733] : memref<3x128x128xi32, #tpu.memory_space<hbm>> -> memref<3x4x128xi32, #tpu.memory_space<hbm>>
      tpu.wait_dma2 semaphore(%run_scoped3A : memref<!tpu.dma_semaphore, #tpu.memory_space<semaphore_mem>>) src(%dma_wait3A_734 : memref<3x4x128xi32, #tpu.memory_space<hbm>>) dst(%arg6 : memref<3x4x128xi32, #tpu.memory_space<vmem>>)
      tpu.yield
    }) : () -> ()
    %dma_start3A = arith.constant 0 : i32
    %dma_start3A_5 = arith.constant 0 : i32
    %dma_start3A_6 = arith.constant 0 : i32
    %dma_start3A_7 = arith.constant 0 : i32
    %dma_start3A_8 = arith.constant 0 : i32
    %dma_start3A_9 = tpu.memref_slice %arg7[%dma_start3A_6, %dma_start3A_7, %dma_start3A_8] : memref<6x128x128xf32, #tpu.memory_space<vmem>> -> memref<1x128x128xf32, #tpu.memory_space<vmem>>
    %dma_start3A_10 = tpu.memref_squeeze %dma_start3A_9 : memref<1x128x128xf32, #tpu.memory_space<vmem>> -> memref<128x128xf32, #tpu.memory_space<vmem>>
    %dma_start3A_11 = arith.constant 0 : i32
    %dma_start3A_12 = tpu.memref_slice %arg6[%dma_start3A, %dma_start3A_5, %dma_start3A_11] : memref<3x4x128xi32, #tpu.memory_space<vmem>> -> memref<1x1x128xi32, #tpu.memory_space<vmem>>
    %dma_start3A_13 = tpu.memref_squeeze %dma_start3A_12 : memref<1x1x128xi32, #tpu.memory_space<vmem>> -> memref<128xi32, #tpu.memory_space<vmem>>
    %dma_start3A_14 = arith.constant 0 : i32
    %dma_start3A_15 = arith.constant 0 : i32
    %dma_start3A_16 = tpu.memref_slice %arg2[%dma_start3A_14, %dma_start3A_15] : memref<1000000x128xf32, #tpu.memory_space<hbm>> -> memref<1000000x128xf32, #tpu.memory_space<hbm>>
    tpu.enqueue_indirect_dma source(%dma_start3A_16 : memref<1000000x128xf32, #tpu.memory_space<hbm>>) target(%dma_start3A_10 : memref<128x128xf32, #tpu.memory_space<vmem>>) offsets(%dma_start3A_13 : memref<128xi32, #tpu.memory_space<vmem>>) semaphore(%arg8 : memref<!tpu.dma_semaphore, #tpu.memory_space<semaphore_mem>>)
    %dma_start3A_17 = arith.constant 0 : i32
    %dma_start3A_18 = arith.constant 1 : i32
    %dma_start3A_19 = arith.constant 1 : i32
    %dma_start3A_20 = arith.constant 0 : i32
    %dma_start3A_21 = arith.constant 0 : i32
    %dma_start3A_22 = tpu.memref_slice %arg7[%dma_start3A_19, %dma_start3A_20, %dma_start3A_21] : memref<6x128x128xf32, #tpu.memory_space<vmem>> -> memref<1x128x128xf32, #tpu.memory_space<vmem>>
    %dma_start3A_23 = tpu.memref_squeeze %dma_start3A_22 : memref<1x128x128xf32, #tpu.memory_space<vmem>> -> memref<128x128xf32, #tpu.memory_space<vmem>>
    %dma_start3A_24 = arith.constant 0 : i32
    %dma_start3A_25 = tpu.memref_slice %arg6[%dma_start3A_17, %dma_start3A_18, %dma_start3A_24] : memref<3x4x128xi32, #tpu.memory_space<vmem>> -> memref<1x1x128xi32, #tpu.memory_space<vmem>>
    %dma_start3A_26 = tpu.memref_squeeze %dma_start3A_25 : memref<1x1x128xi32, #tpu.memory_space<vmem>> -> memref<128xi32, #tpu.memory_space<vmem>>
    %dma_start3A_27 = arith.constant 0 : i32
    %dma_start3A_28 = arith.constant 0 : i32
    %dma_start3A_29 = tpu.memref_slice %arg2[%dma_start3A_27, %dma_start3A_28] : memref<1000000x128xf32, #tpu.memory_space<hbm>> -> memref<1000000x128xf32, #tpu.memory_space<hbm>>
    tpu.enqueue_indirect_dma source(%dma_start3A_29 : memref<1000000x128xf32, #tpu.memory_space<hbm>>) target(%dma_start3A_23 : memref<128x128xf32, #tpu.memory_space<vmem>>) offsets(%dma_start3A_26 : memref<128xi32, #tpu.memory_space<vmem>>) semaphore(%arg9 : memref<!tpu.dma_semaphore, #tpu.memory_space<semaphore_mem>>)
    %dma_start3A_30 = arith.constant 1 : i32
    %dma_start3A_31 = arith.constant 0 : i32
    %dma_start3A_32 = arith.constant 2 : i32
    %dma_start3A_33 = arith.constant 0 : i32
    %dma_start3A_34 = arith.constant 0 : i32
    %dma_start3A_35 = tpu.memref_slice %arg7[%dma_start3A_32, %dma_start3A_33, %dma_start3A_34] : memref<6x128x128xf32, #tpu.memory_space<vmem>> -> memref<1x128x128xf32, #tpu.memory_space<vmem>>
    %dma_start3A_36 = tpu.memref_squeeze %dma_start3A_35 : memref<1x128x128xf32, #tpu.memory_space<vmem>> -> memref<128x128xf32, #tpu.memory_space<vmem>>
    %dma_start3A_37 = arith.constant 0 : i32
    %dma_start3A_38 = tpu.memref_slice %arg6[%dma_start3A_30, %dma_start3A_31, %dma_start3A_37] : memref<3x4x128xi32, #tpu.memory_space<vmem>> -> memref<1x1x128xi32, #tpu.memory_space<vmem>>
    %dma_start3A_39 = tpu.memref_squeeze %dma_start3A_38 : memref<1x1x128xi32, #tpu.memory_space<vmem>> -> memref<128xi32, #tpu.memory_space<vmem>>
    %dma_start3A_40 = arith.constant 0 : i32
    %dma_start3A_41 = arith.constant 0 : i32
    %dma_start3A_42 = tpu.memref_slice %arg3[%dma_start3A_40, %dma_start3A_41] : memref<100000x128xf32, #tpu.memory_space<hbm>> -> memref<100000x128xf32, #tpu.memory_space<hbm>>
    tpu.enqueue_indirect_dma source(%dma_start3A_42 : memref<100000x128xf32, #tpu.memory_space<hbm>>) target(%dma_start3A_36 : memref<128x128xf32, #tpu.memory_space<vmem>>) offsets(%dma_start3A_39 : memref<128xi32, #tpu.memory_space<vmem>>) semaphore(%arg10 : memref<!tpu.dma_semaphore, #tpu.memory_space<semaphore_mem>>)
    %dma_start3A_43 = arith.constant 1 : i32
    %dma_start3A_44 = arith.constant 1 : i32
    %dma_start3A_45 = arith.constant 3 : i32
    %dma_start3A_46 = arith.constant 0 : i32
    %dma_start3A_47 = arith.constant 0 : i32
    %dma_start3A_48 = tpu.memref_slice %arg7[%dma_start3A_45, %dma_start3A_46, %dma_start3A_47] : memref<6x128x128xf32, #tpu.memory_space<vmem>> -> memref<1x128x128xf32, #tpu.memory_space<vmem>>
    %dma_start3A_49 = tpu.memref_squeeze %dma_start3A_48 : memref<1x128x128xf32, #tpu.memory_space<vmem>> -> memref<128x128xf32, #tpu.memory_space<vmem>>
    %dma_start3A_50 = arith.constant 0 : i32
    %dma_start3A_51 = tpu.memref_slice %arg6[%dma_start3A_43, %dma_start3A_44, %dma_start3A_50] : memref<3x4x128xi32, #tpu.memory_space<vmem>> -> memref<1x1x128xi32, #tpu.memory_space<vmem>>
    %dma_start3A_52 = tpu.memref_squeeze %dma_start3A_51 : memref<1x1x128xi32, #tpu.memory_space<vmem>> -> memref<128xi32, #tpu.memory_space<vmem>>
    %dma_start3A_53 = arith.constant 0 : i32
    %dma_start3A_54 = arith.constant 0 : i32
    %dma_start3A_55 = tpu.memref_slice %arg3[%dma_start3A_53, %dma_start3A_54] : memref<100000x128xf32, #tpu.memory_space<hbm>> -> memref<100000x128xf32, #tpu.memory_space<hbm>>
    tpu.enqueue_indirect_dma source(%dma_start3A_55 : memref<100000x128xf32, #tpu.memory_space<hbm>>) target(%dma_start3A_49 : memref<128x128xf32, #tpu.memory_space<vmem>>) offsets(%dma_start3A_52 : memref<128xi32, #tpu.memory_space<vmem>>) semaphore(%arg11 : memref<!tpu.dma_semaphore, #tpu.memory_space<semaphore_mem>>)
    %dma_start3A_56 = arith.constant 2 : i32
    %dma_start3A_57 = arith.constant 0 : i32
    %dma_start3A_58 = arith.constant 4 : i32
    %dma_start3A_59 = arith.constant 0 : i32
    %dma_start3A_60 = arith.constant 0 : i32
    %dma_start3A_61 = tpu.memref_slice %arg7[%dma_start3A_58, %dma_start3A_59, %dma_start3A_60] : memref<6x128x128xf32, #tpu.memory_space<vmem>> -> memref<1x128x128xf32, #tpu.memory_space<vmem>>
    %dma_start3A_62 = tpu.memref_squeeze %dma_start3A_61 : memref<1x128x128xf32, #tpu.memory_space<vmem>> -> memref<128x128xf32, #tpu.memory_space<vmem>>
    %dma_start3A_63 = arith.constant 0 : i32
    %dma_start3A_64 = tpu.memref_slice %arg6[%dma_start3A_56, %dma_start3A_57, %dma_start3A_63] : memref<3x4x128xi32, #tpu.memory_space<vmem>> -> memref<1x1x128xi32, #tpu.memory_space<vmem>>
    %dma_start3A_65 = tpu.memref_squeeze %dma_start3A_64 : memref<1x1x128xi32, #tpu.memory_space<vmem>> -> memref<128xi32, #tpu.memory_space<vmem>>
    %dma_start3A_66 = arith.constant 0 : i32
    %dma_start3A_67 = arith.constant 0 : i32
    %dma_start3A_68 = tpu.memref_slice %arg2[%dma_start3A_66, %dma_start3A_67] : memref<1000000x128xf32, #tpu.memory_space<hbm>> -> memref<1000000x128xf32, #tpu.memory_space<hbm>>
    tpu.enqueue_indirect_dma source(%dma_start3A_68 : memref<1000000x128xf32, #tpu.memory_space<hbm>>) target(%dma_start3A_62 : memref<128x128xf32, #tpu.memory_space<vmem>>) offsets(%dma_start3A_65 : memref<128xi32, #tpu.memory_space<vmem>>) semaphore(%arg12 : memref<!tpu.dma_semaphore, #tpu.memory_space<semaphore_mem>>)
    %dma_start3A_69 = arith.constant 2 : i32
    %dma_start3A_70 = arith.constant 1 : i32
    %dma_start3A_71 = arith.constant 5 : i32
    %dma_start3A_72 = arith.constant 0 : i32
    %dma_start3A_73 = arith.constant 0 : i32
    %dma_start3A_74 = tpu.memref_slice %arg7[%dma_start3A_71, %dma_start3A_72, %dma_start3A_73] : memref<6x128x128xf32, #tpu.memory_space<vmem>> -> memref<1x128x128xf32, #tpu.memory_space<vmem>>
    %dma_start3A_75 = tpu.memref_squeeze %dma_start3A_74 : memref<1x128x128xf32, #tpu.memory_space<vmem>> -> memref<128x128xf32, #tpu.memory_space<vmem>>
    %dma_start3A_76 = arith.constant 0 : i32
    %dma_start3A_77 = tpu.memref_slice %arg6[%dma_start3A_69, %dma_start3A_70, %dma_start3A_76] : memref<3x4x128xi32, #tpu.memory_space<vmem>> -> memref<1x1x128xi32, #tpu.memory_space<vmem>>
    %dma_start3A_78 = tpu.memref_squeeze %dma_start3A_77 : memref<1x1x128xi32, #tpu.memory_space<vmem>> -> memref<128xi32, #tpu.memory_space<vmem>>
    %dma_start3A_79 = arith.constant 0 : i32
    %dma_start3A_80 = arith.constant 0 : i32
    %dma_start3A_81 = tpu.memref_slice %arg2[%dma_start3A_79, %dma_start3A_80] : memref<1000000x128xf32, #tpu.memory_space<hbm>> -> memref<1000000x128xf32, #tpu.memory_space<hbm>>
    tpu.enqueue_indirect_dma source(%dma_start3A_81 : memref<1000000x128xf32, #tpu.memory_space<hbm>>) target(%dma_start3A_75 : memref<128x128xf32, #tpu.memory_space<vmem>>) offsets(%dma_start3A_78 : memref<128xi32, #tpu.memory_space<vmem>>) semaphore(%arg13 : memref<!tpu.dma_semaphore, #tpu.memory_space<semaphore_mem>>)
    %dma_wait3A = arith.constant 0 : i32
    %dma_wait3A_82 = arith.constant 0 : i32
    %dma_wait3A_83 = arith.constant 0 : i32
    %dma_wait3A_84 = arith.constant 0 : i32
    %dma_wait3A_85 = arith.constant 0 : i32
    %dma_wait3A_86 = tpu.memref_slice %arg7[%dma_wait3A_83, %dma_wait3A_84, %dma_wait3A_85] : memref<6x128x128xf32, #tpu.memory_space<vmem>> -> memref<1x128x128xf32, #tpu.memory_space<vmem>>
    %dma_wait3A_87 = tpu.memref_squeeze %dma_wait3A_86 : memref<1x128x128xf32, #tpu.memory_space<vmem>> -> memref<128x128xf32, #tpu.memory_space<vmem>>
    %dma_wait3A_88 = arith.constant 0 : i32
    %dma_wait3A_89 = tpu.memref_slice %arg6[%dma_wait3A, %dma_wait3A_82, %dma_wait3A_88] : memref<3x4x128xi32, #tpu.memory_space<vmem>> -> memref<1x1x128xi32, #tpu.memory_space<vmem>>
    %dma_wait3A_90 = tpu.memref_squeeze %dma_wait3A_89 : memref<1x1x128xi32, #tpu.memory_space<vmem>> -> memref<128xi32, #tpu.memory_space<vmem>>
    %dma_wait3A_91 = arith.constant 0 : i32
    %dma_wait3A_92 = arith.constant 0 : i32
    %dma_wait3A_93 = tpu.memref_slice %arg2[%dma_wait3A_91, %dma_wait3A_92] : memref<1000000x128xf32, #tpu.memory_space<hbm>> -> memref<1000000x128xf32, #tpu.memory_space<hbm>>
    tpu.wait_indirect_dma semaphore(%arg8 : memref<!tpu.dma_semaphore, #tpu.memory_space<semaphore_mem>>) src(%dma_wait3A_93 : memref<1000000x128xf32, #tpu.memory_space<hbm>>) dst(%dma_wait3A_87 : memref<128x128xf32, #tpu.memory_space<vmem>>)
    %add3A_94 = arith.constant 0 : i32
    %add3A_95 = arith.addi %mul3A_2, %add3A_94 : i32
    %dma_start3A_96 = arith.constant 0 : i32
    %dma_start3A_97 = arith.constant 0 : i32
    %dma_start3A_98 = arith.constant 0 : i32
    %dma_start3A_99 = arith.constant 0 : i32
    %dma_start3A_100 = tpu.memref_slice %arg7[%dma_start3A_96, %dma_start3A_98, %dma_start3A_99] : memref<6x128x128xf32, #tpu.memory_space<vmem>> -> memref<1x128x128xf32, #tpu.memory_space<vmem>>
    %dma_start3A_101 = tpu.memref_squeeze %dma_start3A_100 : memref<1x128x128xf32, #tpu.memory_space<vmem>> -> memref<128x128xf32, #tpu.memory_space<vmem>>
    %dma_start3A_102 = arith.constant 0 : i32
    %dma_start3A_103 = tpu.memref_slice %arg5[%dma_start3A_97, %add3A_95, %dma_start3A_102] : memref<3x16384x128xf32, #tpu.memory_space<hbm>> -> memref<1x128x128xf32, #tpu.memory_space<hbm>>
    %dma_start3A_104 = tpu.memref_squeeze %dma_start3A_103 : memref<1x128x128xf32, #tpu.memory_space<hbm>> -> memref<128x128xf32, #tpu.memory_space<hbm>>
    %dma_start3A_105 = arith.constant 0 : i32
    %dma_start3A_106 = tpu.memref_slice %arg5[%dma_start3A_97, %add3A_95, %dma_start3A_105] : memref<3x16384x128xf32, #tpu.memory_space<hbm>> -> memref<1x128x128xf32, #tpu.memory_space<hbm>>
    %dma_start3A_107 = tpu.memref_squeeze %dma_start3A_106 : memref<1x128x128xf32, #tpu.memory_space<hbm>> -> memref<128x128xf32, #tpu.memory_space<hbm>>
    %dma_start3A_108 = arith.constant 0 : i32
    %dma_start3A_109 = arith.constant 0 : i32
    %dma_start3A_110 = tpu.memref_slice %arg7[%dma_start3A_96, %dma_start3A_108, %dma_start3A_109] : memref<6x128x128xf32, #tpu.memory_space<vmem>> -> memref<1x128x128xf32, #tpu.memory_space<vmem>>
    %dma_start3A_111 = tpu.memref_squeeze %dma_start3A_110 : memref<1x128x128xf32, #tpu.memory_space<vmem>> -> memref<128x128xf32, #tpu.memory_space<vmem>>
    tpu.enqueue_dma source(%dma_start3A_111 : memref<128x128xf32, #tpu.memory_space<vmem>>) target(%dma_start3A_107 : memref<128x128xf32, #tpu.memory_space<hbm>>) target_semaphore(%arg8 : memref<!tpu.dma_semaphore, #tpu.memory_space<semaphore_mem>>)
    %dma_wait3A_112 = arith.constant 1 : i32
    %dma_wait3A_113 = arith.constant 0 : i32
    %dma_wait3A_114 = arith.constant 2 : i32
    %dma_wait3A_115 = arith.constant 0 : i32
    %dma_wait3A_116 = arith.constant 0 : i32
    %dma_wait3A_117 = tpu.memref_slice %arg7[%dma_wait3A_114, %dma_wait3A_115, %dma_wait3A_116] : memref<6x128x128xf32, #tpu.memory_space<vmem>> -> memref<1x128x128xf32, #tpu.memory_space<vmem>>
    %dma_wait3A_118 = tpu.memref_squeeze %dma_wait3A_117 : memref<1x128x128xf32, #tpu.memory_space<vmem>> -> memref<128x128xf32, #tpu.memory_space<vmem>>
    %dma_wait3A_119 = arith.constant 0 : i32
    %dma_wait3A_120 = tpu.memref_slice %arg6[%dma_wait3A_112, %dma_wait3A_113, %dma_wait3A_119] : memref<3x4x128xi32, #tpu.memory_space<vmem>> -> memref<1x1x128xi32, #tpu.memory_space<vmem>>
    %dma_wait3A_121 = tpu.memref_squeeze %dma_wait3A_120 : memref<1x1x128xi32, #tpu.memory_space<vmem>> -> memref<128xi32, #tpu.memory_space<vmem>>
    %dma_wait3A_122 = arith.constant 0 : i32
    %dma_wait3A_123 = arith.constant 0 : i32
    %dma_wait3A_124 = tpu.memref_slice %arg3[%dma_wait3A_122, %dma_wait3A_123] : memref<100000x128xf32, #tpu.memory_space<hbm>> -> memref<100000x128xf32, #tpu.memory_space<hbm>>
    tpu.wait_indirect_dma semaphore(%arg10 : memref<!tpu.dma_semaphore, #tpu.memory_space<semaphore_mem>>) src(%dma_wait3A_124 : memref<100000x128xf32, #tpu.memory_space<hbm>>) dst(%dma_wait3A_118 : memref<128x128xf32, #tpu.memory_space<vmem>>)
    %add3A_125 = arith.constant 0 : i32
    %add3A_126 = arith.addi %mul3A_2, %add3A_125 : i32
    %dma_start3A_127 = arith.constant 2 : i32
    %dma_start3A_128 = arith.constant 1 : i32
    %dma_start3A_129 = arith.constant 0 : i32
    %dma_start3A_130 = arith.constant 0 : i32
    %dma_start3A_131 = tpu.memref_slice %arg7[%dma_start3A_127, %dma_start3A_129, %dma_start3A_130] : memref<6x128x128xf32, #tpu.memory_space<vmem>> -> memref<1x128x128xf32, #tpu.memory_space<vmem>>
    %dma_start3A_132 = tpu.memref_squeeze %dma_start3A_131 : memref<1x128x128xf32, #tpu.memory_space<vmem>> -> memref<128x128xf32, #tpu.memory_space<vmem>>
    %dma_start3A_133 = arith.constant 0 : i32
    %dma_start3A_134 = tpu.memref_slice %arg5[%dma_start3A_128, %add3A_126, %dma_start3A_133] : memref<3x16384x128xf32, #tpu.memory_space<hbm>> -> memref<1x128x128xf32, #tpu.memory_space<hbm>>
    %dma_start3A_135 = tpu.memref_squeeze %dma_start3A_134 : memref<1x128x128xf32, #tpu.memory_space<hbm>> -> memref<128x128xf32, #tpu.memory_space<hbm>>
    %dma_start3A_136 = arith.constant 0 : i32
    %dma_start3A_137 = tpu.memref_slice %arg5[%dma_start3A_128, %add3A_126, %dma_start3A_136] : memref<3x16384x128xf32, #tpu.memory_space<hbm>> -> memref<1x128x128xf32, #tpu.memory_space<hbm>>
    %dma_start3A_138 = tpu.memref_squeeze %dma_start3A_137 : memref<1x128x128xf32, #tpu.memory_space<hbm>> -> memref<128x128xf32, #tpu.memory_space<hbm>>
    %dma_start3A_139 = arith.constant 0 : i32
    %dma_start3A_140 = arith.constant 0 : i32
    %dma_start3A_141 = tpu.memref_slice %arg7[%dma_start3A_127, %dma_start3A_139, %dma_start3A_140] : memref<6x128x128xf32, #tpu.memory_space<vmem>> -> memref<1x128x128xf32, #tpu.memory_space<vmem>>
    %dma_start3A_142 = tpu.memref_squeeze %dma_start3A_141 : memref<1x128x128xf32, #tpu.memory_space<vmem>> -> memref<128x128xf32, #tpu.memory_space<vmem>>
    tpu.enqueue_dma source(%dma_start3A_142 : memref<128x128xf32, #tpu.memory_space<vmem>>) target(%dma_start3A_138 : memref<128x128xf32, #tpu.memory_space<hbm>>) target_semaphore(%arg10 : memref<!tpu.dma_semaphore, #tpu.memory_space<semaphore_mem>>)
    %dma_wait3A_143 = arith.constant 2 : i32
    %dma_wait3A_144 = arith.constant 0 : i32
    %dma_wait3A_145 = arith.constant 4 : i32
    %dma_wait3A_146 = arith.constant 0 : i32
    %dma_wait3A_147 = arith.constant 0 : i32
    %dma_wait3A_148 = tpu.memref_slice %arg7[%dma_wait3A_145, %dma_wait3A_146, %dma_wait3A_147] : memref<6x128x128xf32, #tpu.memory_space<vmem>> -> memref<1x128x128xf32, #tpu.memory_space<vmem>>
    %dma_wait3A_149 = tpu.memref_squeeze %dma_wait3A_148 : memref<1x128x128xf32, #tpu.memory_space<vmem>> -> memref<128x128xf32, #tpu.memory_space<vmem>>
    %dma_wait3A_150 = arith.constant 0 : i32
    %dma_wait3A_151 = tpu.memref_slice %arg6[%dma_wait3A_143, %dma_wait3A_144, %dma_wait3A_150] : memref<3x4x128xi32, #tpu.memory_space<vmem>> -> memref<1x1x128xi32, #tpu.memory_space<vmem>>
    %dma_wait3A_152 = tpu.memref_squeeze %dma_wait3A_151 : memref<1x1x128xi32, #tpu.memory_space<vmem>> -> memref<128xi32, #tpu.memory_space<vmem>>
    %dma_wait3A_153 = arith.constant 0 : i32
    %dma_wait3A_154 = arith.constant 0 : i32
    %dma_wait3A_155 = tpu.memref_slice %arg2[%dma_wait3A_153, %dma_wait3A_154] : memref<1000000x128xf32, #tpu.memory_space<hbm>> -> memref<1000000x128xf32, #tpu.memory_space<hbm>>
    tpu.wait_indirect_dma semaphore(%arg12 : memref<!tpu.dma_semaphore, #tpu.memory_space<semaphore_mem>>) src(%dma_wait3A_155 : memref<1000000x128xf32, #tpu.memory_space<hbm>>) dst(%dma_wait3A_149 : memref<128x128xf32, #tpu.memory_space<vmem>>)
    %add3A_156 = arith.constant 0 : i32
    %add3A_157 = arith.addi %mul3A_2, %add3A_156 : i32
    %dma_start3A_158 = arith.constant 4 : i32
    %dma_start3A_159 = arith.constant 2 : i32
    %dma_start3A_160 = arith.constant 0 : i32
    %dma_start3A_161 = arith.constant 0 : i32
    %dma_start3A_162 = tpu.memref_slice %arg7[%dma_start3A_158, %dma_start3A_160, %dma_start3A_161] : memref<6x128x128xf32, #tpu.memory_space<vmem>> -> memref<1x128x128xf32, #tpu.memory_space<vmem>>
    %dma_start3A_163 = tpu.memref_squeeze %dma_start3A_162 : memref<1x128x128xf32, #tpu.memory_space<vmem>> -> memref<128x128xf32, #tpu.memory_space<vmem>>
    %dma_start3A_164 = arith.constant 0 : i32
    %dma_start3A_165 = tpu.memref_slice %arg5[%dma_start3A_159, %add3A_157, %dma_start3A_164] : memref<3x16384x128xf32, #tpu.memory_space<hbm>> -> memref<1x128x128xf32, #tpu.memory_space<hbm>>
    %dma_start3A_166 = tpu.memref_squeeze %dma_start3A_165 : memref<1x128x128xf32, #tpu.memory_space<hbm>> -> memref<128x128xf32, #tpu.memory_space<hbm>>
    %dma_start3A_167 = arith.constant 0 : i32
    %dma_start3A_168 = tpu.memref_slice %arg5[%dma_start3A_159, %add3A_157, %dma_start3A_167] : memref<3x16384x128xf32, #tpu.memory_space<hbm>> -> memref<1x128x128xf32, #tpu.memory_space<hbm>>
    %dma_start3A_169 = tpu.memref_squeeze %dma_start3A_168 : memref<1x128x128xf32, #tpu.memory_space<hbm>> -> memref<128x128xf32, #tpu.memory_space<hbm>>
    %dma_start3A_170 = arith.constant 0 : i32
    %dma_start3A_171 = arith.constant 0 : i32
    %dma_start3A_172 = tpu.memref_slice %arg7[%dma_start3A_158, %dma_start3A_170, %dma_start3A_171] : memref<6x128x128xf32, #tpu.memory_space<vmem>> -> memref<1x128x128xf32, #tpu.memory_space<vmem>>
    %dma_start3A_173 = tpu.memref_squeeze %dma_start3A_172 : memref<1x128x128xf32, #tpu.memory_space<vmem>> -> memref<128x128xf32, #tpu.memory_space<vmem>>
    tpu.enqueue_dma source(%dma_start3A_173 : memref<128x128xf32, #tpu.memory_space<vmem>>) target(%dma_start3A_169 : memref<128x128xf32, #tpu.memory_space<hbm>>) target_semaphore(%arg12 : memref<!tpu.dma_semaphore, #tpu.memory_space<semaphore_mem>>)
    %dma_wait3A_174 = arith.constant 0 : i32
    %dma_wait3A_175 = arith.constant 1 : i32
    %dma_wait3A_176 = arith.constant 1 : i32
    %dma_wait3A_177 = arith.constant 0 : i32
    %dma_wait3A_178 = arith.constant 0 : i32
    %dma_wait3A_179 = tpu.memref_slice %arg7[%dma_wait3A_176, %dma_wait3A_177, %dma_wait3A_178] : memref<6x128x128xf32, #tpu.memory_space<vmem>> -> memref<1x128x128xf32, #tpu.memory_space<vmem>>
    %dma_wait3A_180 = tpu.memref_squeeze %dma_wait3A_179 : memref<1x128x128xf32, #tpu.memory_space<vmem>> -> memref<128x128xf32, #tpu.memory_space<vmem>>
    %dma_wait3A_181 = arith.constant 0 : i32
    %dma_wait3A_182 = tpu.memref_slice %arg6[%dma_wait3A_174, %dma_wait3A_175, %dma_wait3A_181] : memref<3x4x128xi32, #tpu.memory_space<vmem>> -> memref<1x1x128xi32, #tpu.memory_space<vmem>>
    %dma_wait3A_183 = tpu.memref_squeeze %dma_wait3A_182 : memref<1x1x128xi32, #tpu.memory_space<vmem>> -> memref<128xi32, #tpu.memory_space<vmem>>
    %dma_wait3A_184 = arith.constant 0 : i32
    %dma_wait3A_185 = arith.constant 0 : i32
    %dma_wait3A_186 = tpu.memref_slice %arg2[%dma_wait3A_184, %dma_wait3A_185] : memref<1000000x128xf32, #tpu.memory_space<hbm>> -> memref<1000000x128xf32, #tpu.memory_space<hbm>>
    tpu.wait_indirect_dma semaphore(%arg9 : memref<!tpu.dma_semaphore, #tpu.memory_space<semaphore_mem>>) src(%dma_wait3A_186 : memref<1000000x128xf32, #tpu.memory_space<hbm>>) dst(%dma_wait3A_180 : memref<128x128xf32, #tpu.memory_space<vmem>>)
    %add3A_187 = arith.constant 128 : i32
    %add3A_188 = arith.addi %mul3A_2, %add3A_187 : i32
    %dma_start3A_189 = arith.constant 1 : i32
    %dma_start3A_190 = arith.constant 0 : i32
    %dma_start3A_191 = arith.constant 0 : i32
    %dma_start3A_192 = arith.constant 0 : i32
    %dma_start3A_193 = tpu.memref_slice %arg7[%dma_start3A_189, %dma_start3A_191, %dma_start3A_192] : memref<6x128x128xf32, #tpu.memory_space<vmem>> -> memref<1x128x128xf32, #tpu.memory_space<vmem>>
    %dma_start3A_194 = tpu.memref_squeeze %dma_start3A_193 : memref<1x128x128xf32, #tpu.memory_space<vmem>> -> memref<128x128xf32, #tpu.memory_space<vmem>>
    %dma_start3A_195 = arith.constant 0 : i32
    %dma_start3A_196 = tpu.memref_slice %arg5[%dma_start3A_190, %add3A_188, %dma_start3A_195] : memref<3x16384x128xf32, #tpu.memory_space<hbm>> -> memref<1x128x128xf32, #tpu.memory_space<hbm>>
    %dma_start3A_197 = tpu.memref_squeeze %dma_start3A_196 : memref<1x128x128xf32, #tpu.memory_space<hbm>> -> memref<128x128xf32, #tpu.memory_space<hbm>>
    %dma_start3A_198 = arith.constant 0 : i32
    %dma_start3A_199 = tpu.memref_slice %arg5[%dma_start3A_190, %add3A_188, %dma_start3A_198] : memref<3x16384x128xf32, #tpu.memory_space<hbm>> -> memref<1x128x128xf32, #tpu.memory_space<hbm>>
    %dma_start3A_200 = tpu.memref_squeeze %dma_start3A_199 : memref<1x128x128xf32, #tpu.memory_space<hbm>> -> memref<128x128xf32, #tpu.memory_space<hbm>>
    %dma_start3A_201 = arith.constant 0 : i32
    %dma_start3A_202 = arith.constant 0 : i32
    %dma_start3A_203 = tpu.memref_slice %arg7[%dma_start3A_189, %dma_start3A_201, %dma_start3A_202] : memref<6x128x128xf32, #tpu.memory_space<vmem>> -> memref<1x128x128xf32, #tpu.memory_space<vmem>>
    %dma_start3A_204 = tpu.memref_squeeze %dma_start3A_203 : memref<1x128x128xf32, #tpu.memory_space<vmem>> -> memref<128x128xf32, #tpu.memory_space<vmem>>
    tpu.enqueue_dma source(%dma_start3A_204 : memref<128x128xf32, #tpu.memory_space<vmem>>) target(%dma_start3A_200 : memref<128x128xf32, #tpu.memory_space<hbm>>) target_semaphore(%arg9 : memref<!tpu.dma_semaphore, #tpu.memory_space<semaphore_mem>>)
    %dma_wait3A_205 = arith.constant 0 : i32
    %dma_wait3A_206 = arith.constant 0 : i32
    %dma_wait3A_207 = arith.constant 0 : i32
    %dma_wait3A_208 = arith.constant 0 : i32
    %dma_wait3A_209 = tpu.memref_slice %arg7[%dma_wait3A_205, %dma_wait3A_207, %dma_wait3A_208] : memref<6x128x128xf32, #tpu.memory_space<vmem>> -> memref<1x128x128xf32, #tpu.memory_space<vmem>>
    %dma_wait3A_210 = tpu.memref_squeeze %dma_wait3A_209 : memref<1x128x128xf32, #tpu.memory_space<vmem>> -> memref<128x128xf32, #tpu.memory_space<vmem>>
    %dma_wait3A_211 = arith.constant 0 : i32
    %dma_wait3A_212 = tpu.memref_slice %arg5[%dma_wait3A_206, %add3A_95, %dma_wait3A_211] : memref<3x16384x128xf32, #tpu.memory_space<hbm>> -> memref<1x128x128xf32, #tpu.memory_space<hbm>>
    %dma_wait3A_213 = tpu.memref_squeeze %dma_wait3A_212 : memref<1x128x128xf32, #tpu.memory_space<hbm>> -> memref<128x128xf32, #tpu.memory_space<hbm>>
    %dma_wait3A_214 = arith.constant 0 : i32
    %dma_wait3A_215 = tpu.memref_slice %arg5[%dma_wait3A_206, %add3A_95, %dma_wait3A_214] : memref<3x16384x128xf32, #tpu.memory_space<hbm>> -> memref<1x128x128xf32, #tpu.memory_space<hbm>>
    %dma_wait3A_216 = tpu.memref_squeeze %dma_wait3A_215 : memref<1x128x128xf32, #tpu.memory_space<hbm>> -> memref<128x128xf32, #tpu.memory_space<hbm>>
    %dma_wait3A_217 = arith.constant 0 : i32
    %dma_wait3A_218 = arith.constant 0 : i32
    %dma_wait3A_219 = tpu.memref_slice %arg7[%dma_wait3A_205, %dma_wait3A_217, %dma_wait3A_218] : memref<6x128x128xf32, #tpu.memory_space<vmem>> -> memref<1x128x128xf32, #tpu.memory_space<vmem>>
    %dma_wait3A_220 = tpu.memref_squeeze %dma_wait3A_219 : memref<1x128x128xf32, #tpu.memory_space<vmem>> -> memref<128x128xf32, #tpu.memory_space<vmem>>
    tpu.wait_dma2 semaphore(%arg8 : memref<!tpu.dma_semaphore, #tpu.memory_space<semaphore_mem>>) src(%dma_wait3A_220 : memref<128x128xf32, #tpu.memory_space<vmem>>) dst(%dma_wait3A_216 : memref<128x128xf32, #tpu.memory_space<hbm>>)
    %dma_start3A_221 = arith.constant 0 : i32
    %dma_start3A_222 = arith.constant 2 : i32
    %dma_start3A_223 = arith.constant 0 : i32
    %dma_start3A_224 = arith.constant 0 : i32
    %dma_start3A_225 = arith.constant 0 : i32
    %dma_start3A_226 = tpu.memref_slice %arg7[%dma_start3A_223, %dma_start3A_224, %dma_start3A_225] : memref<6x128x128xf32, #tpu.memory_space<vmem>> -> memref<1x128x128xf32, #tpu.memory_space<vmem>>
    %dma_start3A_227 = tpu.memref_squeeze %dma_start3A_226 : memref<1x128x128xf32, #tpu.memory_space<vmem>> -> memref<128x128xf32, #tpu.memory_space<vmem>>
    %dma_start3A_228 = arith.constant 0 : i32
    %dma_start3A_229 = tpu.memref_slice %arg6[%dma_start3A_221, %dma_start3A_222, %dma_start3A_228] : memref<3x4x128xi32, #tpu.memory_space<vmem>> -> memref<1x1x128xi32, #tpu.memory_space<vmem>>
    %dma_start3A_230 = tpu.memref_squeeze %dma_start3A_229 : memref<1x1x128xi32, #tpu.memory_space<vmem>> -> memref<128xi32, #tpu.memory_space<vmem>>
    %dma_start3A_231 = arith.constant 0 : i32
    %dma_start3A_232 = arith.constant 0 : i32
    %dma_start3A_233 = tpu.memref_slice %arg2[%dma_start3A_231, %dma_start3A_232] : memref<1000000x128xf32, #tpu.memory_space<hbm>> -> memref<1000000x128xf32, #tpu.memory_space<hbm>>
    tpu.enqueue_indirect_dma source(%dma_start3A_233 : memref<1000000x128xf32, #tpu.memory_space<hbm>>) target(%dma_start3A_227 : memref<128x128xf32, #tpu.memory_space<vmem>>) offsets(%dma_start3A_230 : memref<128xi32, #tpu.memory_space<vmem>>) semaphore(%arg8 : memref<!tpu.dma_semaphore, #tpu.memory_space<semaphore_mem>>)
    %dma_wait3A_234 = arith.constant 1 : i32
    %dma_wait3A_235 = arith.constant 1 : i32
    %dma_wait3A_236 = arith.constant 3 : i32
    %dma_wait3A_237 = arith.constant 0 : i32
    %dma_wait3A_238 = arith.constant 0 : i32
    %dma_wait3A_239 = tpu.memref_slice %arg7[%dma_wait3A_236, %dma_wait3A_237, %dma_wait3A_238] : memref<6x128x128xf32, #tpu.memory_space<vmem>> -> memref<1x128x128xf32, #tpu.memory_space<vmem>>
    %dma_wait3A_240 = tpu.memref_squeeze %dma_wait3A_239 : memref<1x128x128xf32, #tpu.memory_space<vmem>> -> memref<128x128xf32, #tpu.memory_space<vmem>>
    %dma_wait3A_241 = arith.constant 0 : i32
    %dma_wait3A_242 = tpu.memref_slice %arg6[%dma_wait3A_234, %dma_wait3A_235, %dma_wait3A_241] : memref<3x4x128xi32, #tpu.memory_space<vmem>> -> memref<1x1x128xi32, #tpu.memory_space<vmem>>
    %dma_wait3A_243 = tpu.memref_squeeze %dma_wait3A_242 : memref<1x1x128xi32, #tpu.memory_space<vmem>> -> memref<128xi32, #tpu.memory_space<vmem>>
    %dma_wait3A_244 = arith.constant 0 : i32
    %dma_wait3A_245 = arith.constant 0 : i32
    %dma_wait3A_246 = tpu.memref_slice %arg3[%dma_wait3A_244, %dma_wait3A_245] : memref<100000x128xf32, #tpu.memory_space<hbm>> -> memref<100000x128xf32, #tpu.memory_space<hbm>>
    tpu.wait_indirect_dma semaphore(%arg11 : memref<!tpu.dma_semaphore, #tpu.memory_space<semaphore_mem>>) src(%dma_wait3A_246 : memref<100000x128xf32, #tpu.memory_space<hbm>>) dst(%dma_wait3A_240 : memref<128x128xf32, #tpu.memory_space<vmem>>)
    %add3A_247 = arith.constant 128 : i32
    %add3A_248 = arith.addi %mul3A_2, %add3A_247 : i32
    %dma_start3A_249 = arith.constant 3 : i32
    %dma_start3A_250 = arith.constant 1 : i32
    %dma_start3A_251 = arith.constant 0 : i32
    %dma_start3A_252 = arith.constant 0 : i32
    %dma_start3A_253 = tpu.memref_slice %arg7[%dma_start3A_249, %dma_start3A_251, %dma_start3A_252] : memref<6x128x128xf32, #tpu.memory_space<vmem>> -> memref<1x128x128xf32, #tpu.memory_space<vmem>>
    %dma_start3A_254 = tpu.memref_squeeze %dma_start3A_253 : memref<1x128x128xf32, #tpu.memory_space<vmem>> -> memref<128x128xf32, #tpu.memory_space<vmem>>
    %dma_start3A_255 = arith.constant 0 : i32
    %dma_start3A_256 = tpu.memref_slice %arg5[%dma_start3A_250, %add3A_248, %dma_start3A_255] : memref<3x16384x128xf32, #tpu.memory_space<hbm>> -> memref<1x128x128xf32, #tpu.memory_space<hbm>>
    %dma_start3A_257 = tpu.memref_squeeze %dma_start3A_256 : memref<1x128x128xf32, #tpu.memory_space<hbm>> -> memref<128x128xf32, #tpu.memory_space<hbm>>
    %dma_start3A_258 = arith.constant 0 : i32
    %dma_start3A_259 = tpu.memref_slice %arg5[%dma_start3A_250, %add3A_248, %dma_start3A_258] : memref<3x16384x128xf32, #tpu.memory_space<hbm>> -> memref<1x128x128xf32, #tpu.memory_space<hbm>>
    %dma_start3A_260 = tpu.memref_squeeze %dma_start3A_259 : memref<1x128x128xf32, #tpu.memory_space<hbm>> -> memref<128x128xf32, #tpu.memory_space<hbm>>
    %dma_start3A_261 = arith.constant 0 : i32
    %dma_start3A_262 = arith.constant 0 : i32
    %dma_start3A_263 = tpu.memref_slice %arg7[%dma_start3A_249, %dma_start3A_261, %dma_start3A_262] : memref<6x128x128xf32, #tpu.memory_space<vmem>> -> memref<1x128x128xf32, #tpu.memory_space<vmem>>
    %dma_start3A_264 = tpu.memref_squeeze %dma_start3A_263 : memref<1x128x128xf32, #tpu.memory_space<vmem>> -> memref<128x128xf32, #tpu.memory_space<vmem>>
    tpu.enqueue_dma source(%dma_start3A_264 : memref<128x128xf32, #tpu.memory_space<vmem>>) target(%dma_start3A_260 : memref<128x128xf32, #tpu.memory_space<hbm>>) target_semaphore(%arg11 : memref<!tpu.dma_semaphore, #tpu.memory_space<semaphore_mem>>)
    %dma_wait3A_265 = arith.constant 2 : i32
    %dma_wait3A_266 = arith.constant 1 : i32
    %dma_wait3A_267 = arith.constant 0 : i32
    %dma_wait3A_268 = arith.constant 0 : i32
    %dma_wait3A_269 = tpu.memref_slice %arg7[%dma_wait3A_265, %dma_wait3A_267, %dma_wait3A_268] : memref<6x128x128xf32, #tpu.memory_space<vmem>> -> memref<1x128x128xf32, #tpu.memory_space<vmem>>
    %dma_wait3A_270 = tpu.memref_squeeze %dma_wait3A_269 : memref<1x128x128xf32, #tpu.memory_space<vmem>> -> memref<128x128xf32, #tpu.memory_space<vmem>>
    %dma_wait3A_271 = arith.constant 0 : i32
    %dma_wait3A_272 = tpu.memref_slice %arg5[%dma_wait3A_266, %add3A_126, %dma_wait3A_271] : memref<3x16384x128xf32, #tpu.memory_space<hbm>> -> memref<1x128x128xf32, #tpu.memory_space<hbm>>
    %dma_wait3A_273 = tpu.memref_squeeze %dma_wait3A_272 : memref<1x128x128xf32, #tpu.memory_space<hbm>> -> memref<128x128xf32, #tpu.memory_space<hbm>>
    %dma_wait3A_274 = arith.constant 0 : i32
    %dma_wait3A_275 = tpu.memref_slice %arg5[%dma_wait3A_266, %add3A_126, %dma_wait3A_274] : memref<3x16384x128xf32, #tpu.memory_space<hbm>> -> memref<1x128x128xf32, #tpu.memory_space<hbm>>
    %dma_wait3A_276 = tpu.memref_squeeze %dma_wait3A_275 : memref<1x128x128xf32, #tpu.memory_space<hbm>> -> memref<128x128xf32, #tpu.memory_space<hbm>>
    %dma_wait3A_277 = arith.constant 0 : i32
    %dma_wait3A_278 = arith.constant 0 : i32
    %dma_wait3A_279 = tpu.memref_slice %arg7[%dma_wait3A_265, %dma_wait3A_277, %dma_wait3A_278] : memref<6x128x128xf32, #tpu.memory_space<vmem>> -> memref<1x128x128xf32, #tpu.memory_space<vmem>>
    %dma_wait3A_280 = tpu.memref_squeeze %dma_wait3A_279 : memref<1x128x128xf32, #tpu.memory_space<vmem>> -> memref<128x128xf32, #tpu.memory_space<vmem>>
    tpu.wait_dma2 semaphore(%arg10 : memref<!tpu.dma_semaphore, #tpu.memory_space<semaphore_mem>>) src(%dma_wait3A_280 : memref<128x128xf32, #tpu.memory_space<vmem>>) dst(%dma_wait3A_276 : memref<128x128xf32, #tpu.memory_space<hbm>>)
    %dma_start3A_281 = arith.constant 1 : i32
    %dma_start3A_282 = arith.constant 2 : i32
    %dma_start3A_283 = arith.constant 2 : i32
    %dma_start3A_284 = arith.constant 0 : i32
    %dma_start3A_285 = arith.constant 0 : i32
    %dma_start3A_286 = tpu.memref_slice %arg7[%dma_start3A_283, %dma_start3A_284, %dma_start3A_285] : memref<6x128x128xf32, #tpu.memory_space<vmem>> -> memref<1x128x128xf32, #tpu.memory_space<vmem>>
    %dma_start3A_287 = tpu.memref_squeeze %dma_start3A_286 : memref<1x128x128xf32, #tpu.memory_space<vmem>> -> memref<128x128xf32, #tpu.memory_space<vmem>>
    %dma_start3A_288 = arith.constant 0 : i32
    %dma_start3A_289 = tpu.memref_slice %arg6[%dma_start3A_281, %dma_start3A_282, %dma_start3A_288] : memref<3x4x128xi32, #tpu.memory_space<vmem>> -> memref<1x1x128xi32, #tpu.memory_space<vmem>>
    %dma_start3A_290 = tpu.memref_squeeze %dma_start3A_289 : memref<1x1x128xi32, #tpu.memory_space<vmem>> -> memref<128xi32, #tpu.memory_space<vmem>>
    %dma_start3A_291 = arith.constant 0 : i32
    %dma_start3A_292 = arith.constant 0 : i32
    %dma_start3A_293 = tpu.memref_slice %arg3[%dma_start3A_291, %dma_start3A_292] : memref<100000x128xf32, #tpu.memory_space<hbm>> -> memref<100000x128xf32, #tpu.memory_space<hbm>>
    tpu.enqueue_indirect_dma source(%dma_start3A_293 : memref<100000x128xf32, #tpu.memory_space<hbm>>) target(%dma_start3A_287 : memref<128x128xf32, #tpu.memory_space<vmem>>) offsets(%dma_start3A_290 : memref<128xi32, #tpu.memory_space<vmem>>) semaphore(%arg10 : memref<!tpu.dma_semaphore, #tpu.memory_space<semaphore_mem>>)
    %dma_wait3A_294 = arith.constant 2 : i32
    %dma_wait3A_295 = arith.constant 1 : i32
    %dma_wait3A_296 = arith.constant 5 : i32
    %dma_wait3A_297 = arith.constant 0 : i32
    %dma_wait3A_298 = arith.constant 0 : i32
    %dma_wait3A_299 = tpu.memref_slice %arg7[%dma_wait3A_296, %dma_wait3A_297, %dma_wait3A_298] : memref<6x128x128xf32, #tpu.memory_space<vmem>> -> memref<1x128x128xf32, #tpu.memory_space<vmem>>
    %dma_wait3A_300 = tpu.memref_squeeze %dma_wait3A_299 : memref<1x128x128xf32, #tpu.memory_space<vmem>> -> memref<128x128xf32, #tpu.memory_space<vmem>>
    %dma_wait3A_301 = arith.constant 0 : i32
    %dma_wait3A_302 = tpu.memref_slice %arg6[%dma_wait3A_294, %dma_wait3A_295, %dma_wait3A_301] : memref<3x4x128xi32, #tpu.memory_space<vmem>> -> memref<1x1x128xi32, #tpu.memory_space<vmem>>
    %dma_wait3A_303 = tpu.memref_squeeze %dma_wait3A_302 : memref<1x1x128xi32, #tpu.memory_space<vmem>> -> memref<128xi32, #tpu.memory_space<vmem>>
    %dma_wait3A_304 = arith.constant 0 : i32
    %dma_wait3A_305 = arith.constant 0 : i32
    %dma_wait3A_306 = tpu.memref_slice %arg2[%dma_wait3A_304, %dma_wait3A_305] : memref<1000000x128xf32, #tpu.memory_space<hbm>> -> memref<1000000x128xf32, #tpu.memory_space<hbm>>
    tpu.wait_indirect_dma semaphore(%arg13 : memref<!tpu.dma_semaphore, #tpu.memory_space<semaphore_mem>>) src(%dma_wait3A_306 : memref<1000000x128xf32, #tpu.memory_space<hbm>>) dst(%dma_wait3A_300 : memref<128x128xf32, #tpu.memory_space<vmem>>)
    %add3A_307 = arith.constant 128 : i32
    %add3A_308 = arith.addi %mul3A_2, %add3A_307 : i32
    %dma_start3A_309 = arith.constant 5 : i32
    %dma_start3A_310 = arith.constant 2 : i32
    %dma_start3A_311 = arith.constant 0 : i32
    %dma_start3A_312 = arith.constant 0 : i32
    %dma_start3A_313 = tpu.memref_slice %arg7[%dma_start3A_309, %dma_start3A_311, %dma_start3A_312] : memref<6x128x128xf32, #tpu.memory_space<vmem>> -> memref<1x128x128xf32, #tpu.memory_space<vmem>>
    %dma_start3A_314 = tpu.memref_squeeze %dma_start3A_313 : memref<1x128x128xf32, #tpu.memory_space<vmem>> -> memref<128x128xf32, #tpu.memory_space<vmem>>
    %dma_start3A_315 = arith.constant 0 : i32
    %dma_start3A_316 = tpu.memref_slice %arg5[%dma_start3A_310, %add3A_308, %dma_start3A_315] : memref<3x16384x128xf32, #tpu.memory_space<hbm>> -> memref<1x128x128xf32, #tpu.memory_space<hbm>>
    %dma_start3A_317 = tpu.memref_squeeze %dma_start3A_316 : memref<1x128x128xf32, #tpu.memory_space<hbm>> -> memref<128x128xf32, #tpu.memory_space<hbm>>
    %dma_start3A_318 = arith.constant 0 : i32
    %dma_start3A_319 = tpu.memref_slice %arg5[%dma_start3A_310, %add3A_308, %dma_start3A_318] : memref<3x16384x128xf32, #tpu.memory_space<hbm>> -> memref<1x128x128xf32, #tpu.memory_space<hbm>>
    %dma_start3A_320 = tpu.memref_squeeze %dma_start3A_319 : memref<1x128x128xf32, #tpu.memory_space<hbm>> -> memref<128x128xf32, #tpu.memory_space<hbm>>
    %dma_start3A_321 = arith.constant 0 : i32
    %dma_start3A_322 = arith.constant 0 : i32
    %dma_start3A_323 = tpu.memref_slice %arg7[%dma_start3A_309, %dma_start3A_321, %dma_start3A_322] : memref<6x128x128xf32, #tpu.memory_space<vmem>> -> memref<1x128x128xf32, #tpu.memory_space<vmem>>
    %dma_start3A_324 = tpu.memref_squeeze %dma_start3A_323 : memref<1x128x128xf32, #tpu.memory_space<vmem>> -> memref<128x128xf32, #tpu.memory_space<vmem>>
    tpu.enqueue_dma source(%dma_start3A_324 : memref<128x128xf32, #tpu.memory_space<vmem>>) target(%dma_start3A_320 : memref<128x128xf32, #tpu.memory_space<hbm>>) target_semaphore(%arg13 : memref<!tpu.dma_semaphore, #tpu.memory_space<semaphore_mem>>)
    %dma_wait3A_325 = arith.constant 4 : i32
    %dma_wait3A_326 = arith.constant 2 : i32
    %dma_wait3A_327 = arith.constant 0 : i32
    %dma_wait3A_328 = arith.constant 0 : i32
    %dma_wait3A_329 = tpu.memref_slice %arg7[%dma_wait3A_325, %dma_wait3A_327, %dma_wait3A_328] : memref<6x128x128xf32, #tpu.memory_space<vmem>> -> memref<1x128x128xf32, #tpu.memory_space<vmem>>
    %dma_wait3A_330 = tpu.memref_squeeze %dma_wait3A_329 : memref<1x128x128xf32, #tpu.memory_space<vmem>> -> memref<128x128xf32, #tpu.memory_space<vmem>>
    %dma_wait3A_331 = arith.constant 0 : i32
    %dma_wait3A_332 = tpu.memref_slice %arg5[%dma_wait3A_326, %add3A_157, %dma_wait3A_331] : memref<3x16384x128xf32, #tpu.memory_space<hbm>> -> memref<1x128x128xf32, #tpu.memory_space<hbm>>
    %dma_wait3A_333 = tpu.memref_squeeze %dma_wait3A_332 : memref<1x128x128xf32, #tpu.memory_space<hbm>> -> memref<128x128xf32, #tpu.memory_space<hbm>>
    %dma_wait3A_334 = arith.constant 0 : i32
    %dma_wait3A_335 = tpu.memref_slice %arg5[%dma_wait3A_326, %add3A_157, %dma_wait3A_334] : memref<3x16384x128xf32, #tpu.memory_space<hbm>> -> memref<1x128x128xf32, #tpu.memory_space<hbm>>
    %dma_wait3A_336 = tpu.memref_squeeze %dma_wait3A_335 : memref<1x128x128xf32, #tpu.memory_space<hbm>> -> memref<128x128xf32, #tpu.memory_space<hbm>>
    %dma_wait3A_337 = arith.constant 0 : i32
    %dma_wait3A_338 = arith.constant 0 : i32
    %dma_wait3A_339 = tpu.memref_slice %arg7[%dma_wait3A_325, %dma_wait3A_337, %dma_wait3A_338] : memref<6x128x128xf32, #tpu.memory_space<vmem>> -> memref<1x128x128xf32, #tpu.memory_space<vmem>>
    %dma_wait3A_340 = tpu.memref_squeeze %dma_wait3A_339 : memref<1x128x128xf32, #tpu.memory_space<vmem>> -> memref<128x128xf32, #tpu.memory_space<vmem>>
    tpu.wait_dma2 semaphore(%arg12 : memref<!tpu.dma_semaphore, #tpu.memory_space<semaphore_mem>>) src(%dma_wait3A_340 : memref<128x128xf32, #tpu.memory_space<vmem>>) dst(%dma_wait3A_336 : memref<128x128xf32, #tpu.memory_space<hbm>>)
    %dma_start3A_341 = arith.constant 2 : i32
    %dma_start3A_342 = arith.constant 2 : i32
    %dma_start3A_343 = arith.constant 4 : i32
    %dma_start3A_344 = arith.constant 0 : i32
    %dma_start3A_345 = arith.constant 0 : i32
    %dma_start3A_346 = tpu.memref_slice %arg7[%dma_start3A_343, %dma_start3A_344, %dma_start3A_345] : memref<6x128x128xf32, #tpu.memory_space<vmem>> -> memref<1x128x128xf32, #tpu.memory_space<vmem>>
    %dma_start3A_347 = tpu.memref_squeeze %dma_start3A_346 : memref<1x128x128xf32, #tpu.memory_space<vmem>> -> memref<128x128xf32, #tpu.memory_space<vmem>>
    %dma_start3A_348 = arith.constant 0 : i32
    %dma_start3A_349 = tpu.memref_slice %arg6[%dma_start3A_341, %dma_start3A_342, %dma_start3A_348] : memref<3x4x128xi32, #tpu.memory_space<vmem>> -> memref<1x1x128xi32, #tpu.memory_space<vmem>>
    %dma_start3A_350 = tpu.memref_squeeze %dma_start3A_349 : memref<1x1x128xi32, #tpu.memory_space<vmem>> -> memref<128xi32, #tpu.memory_space<vmem>>
    %dma_start3A_351 = arith.constant 0 : i32
    %dma_start3A_352 = arith.constant 0 : i32
    %dma_start3A_353 = tpu.memref_slice %arg2[%dma_start3A_351, %dma_start3A_352] : memref<1000000x128xf32, #tpu.memory_space<hbm>> -> memref<1000000x128xf32, #tpu.memory_space<hbm>>
    tpu.enqueue_indirect_dma source(%dma_start3A_353 : memref<1000000x128xf32, #tpu.memory_space<hbm>>) target(%dma_start3A_347 : memref<128x128xf32, #tpu.memory_space<vmem>>) offsets(%dma_start3A_350 : memref<128xi32, #tpu.memory_space<vmem>>) semaphore(%arg12 : memref<!tpu.dma_semaphore, #tpu.memory_space<semaphore_mem>>)
    %dma_wait3A_354 = arith.constant 0 : i32
    %dma_wait3A_355 = arith.constant 2 : i32
    %dma_wait3A_356 = arith.constant 0 : i32
    %dma_wait3A_357 = arith.constant 0 : i32
    %dma_wait3A_358 = arith.constant 0 : i32
    %dma_wait3A_359 = tpu.memref_slice %arg7[%dma_wait3A_356, %dma_wait3A_357, %dma_wait3A_358] : memref<6x128x128xf32, #tpu.memory_space<vmem>> -> memref<1x128x128xf32, #tpu.memory_space<vmem>>
    %dma_wait3A_360 = tpu.memref_squeeze %dma_wait3A_359 : memref<1x128x128xf32, #tpu.memory_space<vmem>> -> memref<128x128xf32, #tpu.memory_space<vmem>>
    %dma_wait3A_361 = arith.constant 0 : i32
    %dma_wait3A_362 = tpu.memref_slice %arg6[%dma_wait3A_354, %dma_wait3A_355, %dma_wait3A_361] : memref<3x4x128xi32, #tpu.memory_space<vmem>> -> memref<1x1x128xi32, #tpu.memory_space<vmem>>
    %dma_wait3A_363 = tpu.memref_squeeze %dma_wait3A_362 : memref<1x1x128xi32, #tpu.memory_space<vmem>> -> memref<128xi32, #tpu.memory_space<vmem>>
    %dma_wait3A_364 = arith.constant 0 : i32
    %dma_wait3A_365 = arith.constant 0 : i32
    %dma_wait3A_366 = tpu.memref_slice %arg2[%dma_wait3A_364, %dma_wait3A_365] : memref<1000000x128xf32, #tpu.memory_space<hbm>> -> memref<1000000x128xf32, #tpu.memory_space<hbm>>
    tpu.wait_indirect_dma semaphore(%arg8 : memref<!tpu.dma_semaphore, #tpu.memory_space<semaphore_mem>>) src(%dma_wait3A_366 : memref<1000000x128xf32, #tpu.memory_space<hbm>>) dst(%dma_wait3A_360 : memref<128x128xf32, #tpu.memory_space<vmem>>)
    %add3A_367 = arith.constant 256 : i32
    %add3A_368 = arith.addi %mul3A_2, %add3A_367 : i32
    %dma_start3A_369 = arith.constant 0 : i32
    %dma_start3A_370 = arith.constant 0 : i32
    %dma_start3A_371 = arith.constant 0 : i32
    %dma_start3A_372 = arith.constant 0 : i32
    %dma_start3A_373 = tpu.memref_slice %arg7[%dma_start3A_369, %dma_start3A_371, %dma_start3A_372] : memref<6x128x128xf32, #tpu.memory_space<vmem>> -> memref<1x128x128xf32, #tpu.memory_space<vmem>>
    %dma_start3A_374 = tpu.memref_squeeze %dma_start3A_373 : memref<1x128x128xf32, #tpu.memory_space<vmem>> -> memref<128x128xf32, #tpu.memory_space<vmem>>
    %dma_start3A_375 = arith.constant 0 : i32
    %dma_start3A_376 = tpu.memref_slice %arg5[%dma_start3A_370, %add3A_368, %dma_start3A_375] : memref<3x16384x128xf32, #tpu.memory_space<hbm>> -> memref<1x128x128xf32, #tpu.memory_space<hbm>>
    %dma_start3A_377 = tpu.memref_squeeze %dma_start3A_376 : memref<1x128x128xf32, #tpu.memory_space<hbm>> -> memref<128x128xf32, #tpu.memory_space<hbm>>
    %dma_start3A_378 = arith.constant 0 : i32
    %dma_start3A_379 = tpu.memref_slice %arg5[%dma_start3A_370, %add3A_368, %dma_start3A_378] : memref<3x16384x128xf32, #tpu.memory_space<hbm>> -> memref<1x128x128xf32, #tpu.memory_space<hbm>>
    %dma_start3A_380 = tpu.memref_squeeze %dma_start3A_379 : memref<1x128x128xf32, #tpu.memory_space<hbm>> -> memref<128x128xf32, #tpu.memory_space<hbm>>
    %dma_start3A_381 = arith.constant 0 : i32
    %dma_start3A_382 = arith.constant 0 : i32
    %dma_start3A_383 = tpu.memref_slice %arg7[%dma_start3A_369, %dma_start3A_381, %dma_start3A_382] : memref<6x128x128xf32, #tpu.memory_space<vmem>> -> memref<1x128x128xf32, #tpu.memory_space<vmem>>
    %dma_start3A_384 = tpu.memref_squeeze %dma_start3A_383 : memref<1x128x128xf32, #tpu.memory_space<vmem>> -> memref<128x128xf32, #tpu.memory_space<vmem>>
    tpu.enqueue_dma source(%dma_start3A_384 : memref<128x128xf32, #tpu.memory_space<vmem>>) target(%dma_start3A_380 : memref<128x128xf32, #tpu.memory_space<hbm>>) target_semaphore(%arg8 : memref<!tpu.dma_semaphore, #tpu.memory_space<semaphore_mem>>)
    %dma_wait3A_385 = arith.constant 1 : i32
    %dma_wait3A_386 = arith.constant 0 : i32
    %dma_wait3A_387 = arith.constant 0 : i32
    %dma_wait3A_388 = arith.constant 0 : i32
    %dma_wait3A_389 = tpu.memref_slice %arg7[%dma_wait3A_385, %dma_wait3A_387, %dma_wait3A_388] : memref<6x128x128xf32, #tpu.memory_space<vmem>> -> memref<1x128x128xf32, #tpu.memory_space<vmem>>
    %dma_wait3A_390 = tpu.memref_squeeze %dma_wait3A_389 : memref<1x128x128xf32, #tpu.memory_space<vmem>> -> memref<128x128xf32, #tpu.memory_space<vmem>>
    %dma_wait3A_391 = arith.constant 0 : i32
    %dma_wait3A_392 = tpu.memref_slice %arg5[%dma_wait3A_386, %add3A_188, %dma_wait3A_391] : memref<3x16384x128xf32, #tpu.memory_space<hbm>> -> memref<1x128x128xf32, #tpu.memory_space<hbm>>
    %dma_wait3A_393 = tpu.memref_squeeze %dma_wait3A_392 : memref<1x128x128xf32, #tpu.memory_space<hbm>> -> memref<128x128xf32, #tpu.memory_space<hbm>>
    %dma_wait3A_394 = arith.constant 0 : i32
    %dma_wait3A_395 = tpu.memref_slice %arg5[%dma_wait3A_386, %add3A_188, %dma_wait3A_394] : memref<3x16384x128xf32, #tpu.memory_space<hbm>> -> memref<1x128x128xf32, #tpu.memory_space<hbm>>
    %dma_wait3A_396 = tpu.memref_squeeze %dma_wait3A_395 : memref<1x128x128xf32, #tpu.memory_space<hbm>> -> memref<128x128xf32, #tpu.memory_space<hbm>>
    %dma_wait3A_397 = arith.constant 0 : i32
    %dma_wait3A_398 = arith.constant 0 : i32
    %dma_wait3A_399 = tpu.memref_slice %arg7[%dma_wait3A_385, %dma_wait3A_397, %dma_wait3A_398] : memref<6x128x128xf32, #tpu.memory_space<vmem>> -> memref<1x128x128xf32, #tpu.memory_space<vmem>>
    %dma_wait3A_400 = tpu.memref_squeeze %dma_wait3A_399 : memref<1x128x128xf32, #tpu.memory_space<vmem>> -> memref<128x128xf32, #tpu.memory_space<vmem>>
    tpu.wait_dma2 semaphore(%arg9 : memref<!tpu.dma_semaphore, #tpu.memory_space<semaphore_mem>>) src(%dma_wait3A_400 : memref<128x128xf32, #tpu.memory_space<vmem>>) dst(%dma_wait3A_396 : memref<128x128xf32, #tpu.memory_space<hbm>>)
    %dma_start3A_401 = arith.constant 0 : i32
    %dma_start3A_402 = arith.constant 3 : i32
    %dma_start3A_403 = arith.constant 1 : i32
    %dma_start3A_404 = arith.constant 0 : i32
    %dma_start3A_405 = arith.constant 0 : i32
    %dma_start3A_406 = tpu.memref_slice %arg7[%dma_start3A_403, %dma_start3A_404, %dma_start3A_405] : memref<6x128x128xf32, #tpu.memory_space<vmem>> -> memref<1x128x128xf32, #tpu.memory_space<vmem>>
    %dma_start3A_407 = tpu.memref_squeeze %dma_start3A_406 : memref<1x128x128xf32, #tpu.memory_space<vmem>> -> memref<128x128xf32, #tpu.memory_space<vmem>>
    %dma_start3A_408 = arith.constant 0 : i32
    %dma_start3A_409 = tpu.memref_slice %arg6[%dma_start3A_401, %dma_start3A_402, %dma_start3A_408] : memref<3x4x128xi32, #tpu.memory_space<vmem>> -> memref<1x1x128xi32, #tpu.memory_space<vmem>>
    %dma_start3A_410 = tpu.memref_squeeze %dma_start3A_409 : memref<1x1x128xi32, #tpu.memory_space<vmem>> -> memref<128xi32, #tpu.memory_space<vmem>>
    %dma_start3A_411 = arith.constant 0 : i32
    %dma_start3A_412 = arith.constant 0 : i32
    %dma_start3A_413 = tpu.memref_slice %arg2[%dma_start3A_411, %dma_start3A_412] : memref<1000000x128xf32, #tpu.memory_space<hbm>> -> memref<1000000x128xf32, #tpu.memory_space<hbm>>
    tpu.enqueue_indirect_dma source(%dma_start3A_413 : memref<1000000x128xf32, #tpu.memory_space<hbm>>) target(%dma_start3A_407 : memref<128x128xf32, #tpu.memory_space<vmem>>) offsets(%dma_start3A_410 : memref<128xi32, #tpu.memory_space<vmem>>) semaphore(%arg9 : memref<!tpu.dma_semaphore, #tpu.memory_space<semaphore_mem>>)
    %dma_wait3A_414 = arith.constant 1 : i32
    %dma_wait3A_415 = arith.constant 2 : i32
    %dma_wait3A_416 = arith.constant 2 : i32
    %dma_wait3A_417 = arith.constant 0 : i32
    %dma_wait3A_418 = arith.constant 0 : i32
    %dma_wait3A_419 = tpu.memref_slice %arg7[%dma_wait3A_416, %dma_wait3A_417, %dma_wait3A_418] : memref<6x128x128xf32, #tpu.memory_space<vmem>> -> memref<1x128x128xf32, #tpu.memory_space<vmem>>
    %dma_wait3A_420 = tpu.memref_squeeze %dma_wait3A_419 : memref<1x128x128xf32, #tpu.memory_space<vmem>> -> memref<128x128xf32, #tpu.memory_space<vmem>>
    %dma_wait3A_421 = arith.constant 0 : i32
    %dma_wait3A_422 = tpu.memref_slice %arg6[%dma_wait3A_414, %dma_wait3A_415, %dma_wait3A_421] : memref<3x4x128xi32, #tpu.memory_space<vmem>> -> memref<1x1x128xi32, #tpu.memory_space<vmem>>
    %dma_wait3A_423 = tpu.memref_squeeze %dma_wait3A_422 : memref<1x1x128xi32, #tpu.memory_space<vmem>> -> memref<128xi32, #tpu.memory_space<vmem>>
    %dma_wait3A_424 = arith.constant 0 : i32
    %dma_wait3A_425 = arith.constant 0 : i32
    %dma_wait3A_426 = tpu.memref_slice %arg3[%dma_wait3A_424, %dma_wait3A_425] : memref<100000x128xf32, #tpu.memory_space<hbm>> -> memref<100000x128xf32, #tpu.memory_space<hbm>>
    tpu.wait_indirect_dma semaphore(%arg10 : memref<!tpu.dma_semaphore, #tpu.memory_space<semaphore_mem>>) src(%dma_wait3A_426 : memref<100000x128xf32, #tpu.memory_space<hbm>>) dst(%dma_wait3A_420 : memref<128x128xf32, #tpu.memory_space<vmem>>)
    %add3A_427 = arith.constant 256 : i32
    %add3A_428 = arith.addi %mul3A_2, %add3A_427 : i32
    %dma_start3A_429 = arith.constant 2 : i32
    %dma_start3A_430 = arith.constant 1 : i32
    %dma_start3A_431 = arith.constant 0 : i32
    %dma_start3A_432 = arith.constant 0 : i32
    %dma_start3A_433 = tpu.memref_slice %arg7[%dma_start3A_429, %dma_start3A_431, %dma_start3A_432] : memref<6x128x128xf32, #tpu.memory_space<vmem>> -> memref<1x128x128xf32, #tpu.memory_space<vmem>>
    %dma_start3A_434 = tpu.memref_squeeze %dma_start3A_433 : memref<1x128x128xf32, #tpu.memory_space<vmem>> -> memref<128x128xf32, #tpu.memory_space<vmem>>
    %dma_start3A_435 = arith.constant 0 : i32
    %dma_start3A_436 = tpu.memref_slice %arg5[%dma_start3A_430, %add3A_428, %dma_start3A_435] : memref<3x16384x128xf32, #tpu.memory_space<hbm>> -> memref<1x128x128xf32, #tpu.memory_space<hbm>>
    %dma_start3A_437 = tpu.memref_squeeze %dma_start3A_436 : memref<1x128x128xf32, #tpu.memory_space<hbm>> -> memref<128x128xf32, #tpu.memory_space<hbm>>
    %dma_start3A_438 = arith.constant 0 : i32
    %dma_start3A_439 = tpu.memref_slice %arg5[%dma_start3A_430, %add3A_428, %dma_start3A_438] : memref<3x16384x128xf32, #tpu.memory_space<hbm>> -> memref<1x128x128xf32, #tpu.memory_space<hbm>>
    %dma_start3A_440 = tpu.memref_squeeze %dma_start3A_439 : memref<1x128x128xf32, #tpu.memory_space<hbm>> -> memref<128x128xf32, #tpu.memory_space<hbm>>
    %dma_start3A_441 = arith.constant 0 : i32
    %dma_start3A_442 = arith.constant 0 : i32
    %dma_start3A_443 = tpu.memref_slice %arg7[%dma_start3A_429, %dma_start3A_441, %dma_start3A_442] : memref<6x128x128xf32, #tpu.memory_space<vmem>> -> memref<1x128x128xf32, #tpu.memory_space<vmem>>
    %dma_start3A_444 = tpu.memref_squeeze %dma_start3A_443 : memref<1x128x128xf32, #tpu.memory_space<vmem>> -> memref<128x128xf32, #tpu.memory_space<vmem>>
    tpu.enqueue_dma source(%dma_start3A_444 : memref<128x128xf32, #tpu.memory_space<vmem>>) target(%dma_start3A_440 : memref<128x128xf32, #tpu.memory_space<hbm>>) target_semaphore(%arg10 : memref<!tpu.dma_semaphore, #tpu.memory_space<semaphore_mem>>)
    %dma_wait3A_445 = arith.constant 3 : i32
    %dma_wait3A_446 = arith.constant 1 : i32
    %dma_wait3A_447 = arith.constant 0 : i32
    %dma_wait3A_448 = arith.constant 0 : i32
    %dma_wait3A_449 = tpu.memref_slice %arg7[%dma_wait3A_445, %dma_wait3A_447, %dma_wait3A_448] : memref<6x128x128xf32, #tpu.memory_space<vmem>> -> memref<1x128x128xf32, #tpu.memory_space<vmem>>
    %dma_wait3A_450 = tpu.memref_squeeze %dma_wait3A_449 : memref<1x128x128xf32, #tpu.memory_space<vmem>> -> memref<128x128xf32, #tpu.memory_space<vmem>>
    %dma_wait3A_451 = arith.constant 0 : i32
    %dma_wait3A_452 = tpu.memref_slice %arg5[%dma_wait3A_446, %add3A_248, %dma_wait3A_451] : memref<3x16384x128xf32, #tpu.memory_space<hbm>> -> memref<1x128x128xf32, #tpu.memory_space<hbm>>
    %dma_wait3A_453 = tpu.memref_squeeze %dma_wait3A_452 : memref<1x128x128xf32, #tpu.memory_space<hbm>> -> memref<128x128xf32, #tpu.memory_space<hbm>>
    %dma_wait3A_454 = arith.constant 0 : i32
    %dma_wait3A_455 = tpu.memref_slice %arg5[%dma_wait3A_446, %add3A_248, %dma_wait3A_454] : memref<3x16384x128xf32, #tpu.memory_space<hbm>> -> memref<1x128x128xf32, #tpu.memory_space<hbm>>
    %dma_wait3A_456 = tpu.memref_squeeze %dma_wait3A_455 : memref<1x128x128xf32, #tpu.memory_space<hbm>> -> memref<128x128xf32, #tpu.memory_space<hbm>>
    %dma_wait3A_457 = arith.constant 0 : i32
    %dma_wait3A_458 = arith.constant 0 : i32
    %dma_wait3A_459 = tpu.memref_slice %arg7[%dma_wait3A_445, %dma_wait3A_457, %dma_wait3A_458] : memref<6x128x128xf32, #tpu.memory_space<vmem>> -> memref<1x128x128xf32, #tpu.memory_space<vmem>>
    %dma_wait3A_460 = tpu.memref_squeeze %dma_wait3A_459 : memref<1x128x128xf32, #tpu.memory_space<vmem>> -> memref<128x128xf32, #tpu.memory_space<vmem>>
    tpu.wait_dma2 semaphore(%arg11 : memref<!tpu.dma_semaphore, #tpu.memory_space<semaphore_mem>>) src(%dma_wait3A_460 : memref<128x128xf32, #tpu.memory_space<vmem>>) dst(%dma_wait3A_456 : memref<128x128xf32, #tpu.memory_space<hbm>>)
    %dma_start3A_461 = arith.constant 1 : i32
    %dma_start3A_462 = arith.constant 3 : i32
    %dma_start3A_463 = arith.constant 3 : i32
    %dma_start3A_464 = arith.constant 0 : i32
    %dma_start3A_465 = arith.constant 0 : i32
    %dma_start3A_466 = tpu.memref_slice %arg7[%dma_start3A_463, %dma_start3A_464, %dma_start3A_465] : memref<6x128x128xf32, #tpu.memory_space<vmem>> -> memref<1x128x128xf32, #tpu.memory_space<vmem>>
    %dma_start3A_467 = tpu.memref_squeeze %dma_start3A_466 : memref<1x128x128xf32, #tpu.memory_space<vmem>> -> memref<128x128xf32, #tpu.memory_space<vmem>>
    %dma_start3A_468 = arith.constant 0 : i32
    %dma_start3A_469 = tpu.memref_slice %arg6[%dma_start3A_461, %dma_start3A_462, %dma_start3A_468] : memref<3x4x128xi32, #tpu.memory_space<vmem>> -> memref<1x1x128xi32, #tpu.memory_space<vmem>>
    %dma_start3A_470 = tpu.memref_squeeze %dma_start3A_469 : memref<1x1x128xi32, #tpu.memory_space<vmem>> -> memref<128xi32, #tpu.memory_space<vmem>>
    %dma_start3A_471 = arith.constant 0 : i32
    %dma_start3A_472 = arith.constant 0 : i32
    %dma_start3A_473 = tpu.memref_slice %arg3[%dma_start3A_471, %dma_start3A_472] : memref<100000x128xf32, #tpu.memory_space<hbm>> -> memref<100000x128xf32, #tpu.memory_space<hbm>>
    tpu.enqueue_indirect_dma source(%dma_start3A_473 : memref<100000x128xf32, #tpu.memory_space<hbm>>) target(%dma_start3A_467 : memref<128x128xf32, #tpu.memory_space<vmem>>) offsets(%dma_start3A_470 : memref<128xi32, #tpu.memory_space<vmem>>) semaphore(%arg11 : memref<!tpu.dma_semaphore, #tpu.memory_space<semaphore_mem>>)
    %dma_wait3A_474 = arith.constant 2 : i32
    %dma_wait3A_475 = arith.constant 2 : i32
    %dma_wait3A_476 = arith.constant 4 : i32
    %dma_wait3A_477 = arith.constant 0 : i32
    %dma_wait3A_478 = arith.constant 0 : i32
    %dma_wait3A_479 = tpu.memref_slice %arg7[%dma_wait3A_476, %dma_wait3A_477, %dma_wait3A_478] : memref<6x128x128xf32, #tpu.memory_space<vmem>> -> memref<1x128x128xf32, #tpu.memory_space<vmem>>
    %dma_wait3A_480 = tpu.memref_squeeze %dma_wait3A_479 : memref<1x128x128xf32, #tpu.memory_space<vmem>> -> memref<128x128xf32, #tpu.memory_space<vmem>>
    %dma_wait3A_481 = arith.constant 0 : i32
    %dma_wait3A_482 = tpu.memref_slice %arg6[%dma_wait3A_474, %dma_wait3A_475, %dma_wait3A_481] : memref<3x4x128xi32, #tpu.memory_space<vmem>> -> memref<1x1x128xi32, #tpu.memory_space<vmem>>
    %dma_wait3A_483 = tpu.memref_squeeze %dma_wait3A_482 : memref<1x1x128xi32, #tpu.memory_space<vmem>> -> memref<128xi32, #tpu.memory_space<vmem>>
    %dma_wait3A_484 = arith.constant 0 : i32
    %dma_wait3A_485 = arith.constant 0 : i32
    %dma_wait3A_486 = tpu.memref_slice %arg2[%dma_wait3A_484, %dma_wait3A_485] : memref<1000000x128xf32, #tpu.memory_space<hbm>> -> memref<1000000x128xf32, #tpu.memory_space<hbm>>
    tpu.wait_indirect_dma semaphore(%arg12 : memref<!tpu.dma_semaphore, #tpu.memory_space<semaphore_mem>>) src(%dma_wait3A_486 : memref<1000000x128xf32, #tpu.memory_space<hbm>>) dst(%dma_wait3A_480 : memref<128x128xf32, #tpu.memory_space<vmem>>)
    %add3A_487 = arith.constant 256 : i32
    %add3A_488 = arith.addi %mul3A_2, %add3A_487 : i32
    %dma_start3A_489 = arith.constant 4 : i32
    %dma_start3A_490 = arith.constant 2 : i32
    %dma_start3A_491 = arith.constant 0 : i32
    %dma_start3A_492 = arith.constant 0 : i32
    %dma_start3A_493 = tpu.memref_slice %arg7[%dma_start3A_489, %dma_start3A_491, %dma_start3A_492] : memref<6x128x128xf32, #tpu.memory_space<vmem>> -> memref<1x128x128xf32, #tpu.memory_space<vmem>>
    %dma_start3A_494 = tpu.memref_squeeze %dma_start3A_493 : memref<1x128x128xf32, #tpu.memory_space<vmem>> -> memref<128x128xf32, #tpu.memory_space<vmem>>
    %dma_start3A_495 = arith.constant 0 : i32
    %dma_start3A_496 = tpu.memref_slice %arg5[%dma_start3A_490, %add3A_488, %dma_start3A_495] : memref<3x16384x128xf32, #tpu.memory_space<hbm>> -> memref<1x128x128xf32, #tpu.memory_space<hbm>>
    %dma_start3A_497 = tpu.memref_squeeze %dma_start3A_496 : memref<1x128x128xf32, #tpu.memory_space<hbm>> -> memref<128x128xf32, #tpu.memory_space<hbm>>
    %dma_start3A_498 = arith.constant 0 : i32
    %dma_start3A_499 = tpu.memref_slice %arg5[%dma_start3A_490, %add3A_488, %dma_start3A_498] : memref<3x16384x128xf32, #tpu.memory_space<hbm>> -> memref<1x128x128xf32, #tpu.memory_space<hbm>>
    %dma_start3A_500 = tpu.memref_squeeze %dma_start3A_499 : memref<1x128x128xf32, #tpu.memory_space<hbm>> -> memref<128x128xf32, #tpu.memory_space<hbm>>
    %dma_start3A_501 = arith.constant 0 : i32
    %dma_start3A_502 = arith.constant 0 : i32
    %dma_start3A_503 = tpu.memref_slice %arg7[%dma_start3A_489, %dma_start3A_501, %dma_start3A_502] : memref<6x128x128xf32, #tpu.memory_space<vmem>> -> memref<1x128x128xf32, #tpu.memory_space<vmem>>
    %dma_start3A_504 = tpu.memref_squeeze %dma_start3A_503 : memref<1x128x128xf32, #tpu.memory_space<vmem>> -> memref<128x128xf32, #tpu.memory_space<vmem>>
    tpu.enqueue_dma source(%dma_start3A_504 : memref<128x128xf32, #tpu.memory_space<vmem>>) target(%dma_start3A_500 : memref<128x128xf32, #tpu.memory_space<hbm>>) target_semaphore(%arg12 : memref<!tpu.dma_semaphore, #tpu.memory_space<semaphore_mem>>)
    %dma_wait3A_505 = arith.constant 5 : i32
    %dma_wait3A_506 = arith.constant 2 : i32
    %dma_wait3A_507 = arith.constant 0 : i32
    %dma_wait3A_508 = arith.constant 0 : i32
    %dma_wait3A_509 = tpu.memref_slice %arg7[%dma_wait3A_505, %dma_wait3A_507, %dma_wait3A_508] : memref<6x128x128xf32, #tpu.memory_space<vmem>> -> memref<1x128x128xf32, #tpu.memory_space<vmem>>
    %dma_wait3A_510 = tpu.memref_squeeze %dma_wait3A_509 : memref<1x128x128xf32, #tpu.memory_space<vmem>> -> memref<128x128xf32, #tpu.memory_space<vmem>>
    %dma_wait3A_511 = arith.constant 0 : i32
    %dma_wait3A_512 = tpu.memref_slice %arg5[%dma_wait3A_506, %add3A_308, %dma_wait3A_511] : memref<3x16384x128xf32, #tpu.memory_space<hbm>> -> memref<1x128x128xf32, #tpu.memory_space<hbm>>
    %dma_wait3A_513 = tpu.memref_squeeze %dma_wait3A_512 : memref<1x128x128xf32, #tpu.memory_space<hbm>> -> memref<128x128xf32, #tpu.memory_space<hbm>>
    %dma_wait3A_514 = arith.constant 0 : i32
    %dma_wait3A_515 = tpu.memref_slice %arg5[%dma_wait3A_506, %add3A_308, %dma_wait3A_514] : memref<3x16384x128xf32, #tpu.memory_space<hbm>> -> memref<1x128x128xf32, #tpu.memory_space<hbm>>
    %dma_wait3A_516 = tpu.memref_squeeze %dma_wait3A_515 : memref<1x128x128xf32, #tpu.memory_space<hbm>> -> memref<128x128xf32, #tpu.memory_space<hbm>>
    %dma_wait3A_517 = arith.constant 0 : i32
    %dma_wait3A_518 = arith.constant 0 : i32
    %dma_wait3A_519 = tpu.memref_slice %arg7[%dma_wait3A_505, %dma_wait3A_517, %dma_wait3A_518] : memref<6x128x128xf32, #tpu.memory_space<vmem>> -> memref<1x128x128xf32, #tpu.memory_space<vmem>>
    %dma_wait3A_520 = tpu.memref_squeeze %dma_wait3A_519 : memref<1x128x128xf32, #tpu.memory_space<vmem>> -> memref<128x128xf32, #tpu.memory_space<vmem>>
    tpu.wait_dma2 semaphore(%arg13 : memref<!tpu.dma_semaphore, #tpu.memory_space<semaphore_mem>>) src(%dma_wait3A_520 : memref<128x128xf32, #tpu.memory_space<vmem>>) dst(%dma_wait3A_516 : memref<128x128xf32, #tpu.memory_space<hbm>>)
    %dma_start3A_521 = arith.constant 2 : i32
    %dma_start3A_522 = arith.constant 3 : i32
    %dma_start3A_523 = arith.constant 5 : i32
    %dma_start3A_524 = arith.constant 0 : i32
    %dma_start3A_525 = arith.constant 0 : i32
    %dma_start3A_526 = tpu.memref_slice %arg7[%dma_start3A_523, %dma_start3A_524, %dma_start3A_525] : memref<6x128x128xf32, #tpu.memory_space<vmem>> -> memref<1x128x128xf32, #tpu.memory_space<vmem>>
    %dma_start3A_527 = tpu.memref_squeeze %dma_start3A_526 : memref<1x128x128xf32, #tpu.memory_space<vmem>> -> memref<128x128xf32, #tpu.memory_space<vmem>>
    %dma_start3A_528 = arith.constant 0 : i32
    %dma_start3A_529 = tpu.memref_slice %arg6[%dma_start3A_521, %dma_start3A_522, %dma_start3A_528] : memref<3x4x128xi32, #tpu.memory_space<vmem>> -> memref<1x1x128xi32, #tpu.memory_space<vmem>>
    %dma_start3A_530 = tpu.memref_squeeze %dma_start3A_529 : memref<1x1x128xi32, #tpu.memory_space<vmem>> -> memref<128xi32, #tpu.memory_space<vmem>>
    %dma_start3A_531 = arith.constant 0 : i32
    %dma_start3A_532 = arith.constant 0 : i32
    %dma_start3A_533 = tpu.memref_slice %arg2[%dma_start3A_531, %dma_start3A_532] : memref<1000000x128xf32, #tpu.memory_space<hbm>> -> memref<1000000x128xf32, #tpu.memory_space<hbm>>
    tpu.enqueue_indirect_dma source(%dma_start3A_533 : memref<1000000x128xf32, #tpu.memory_space<hbm>>) target(%dma_start3A_527 : memref<128x128xf32, #tpu.memory_space<vmem>>) offsets(%dma_start3A_530 : memref<128xi32, #tpu.memory_space<vmem>>) semaphore(%arg13 : memref<!tpu.dma_semaphore, #tpu.memory_space<semaphore_mem>>)
    %dma_wait3A_534 = arith.constant 0 : i32
    %dma_wait3A_535 = arith.constant 3 : i32
    %dma_wait3A_536 = arith.constant 1 : i32
    %dma_wait3A_537 = arith.constant 0 : i32
    %dma_wait3A_538 = arith.constant 0 : i32
    %dma_wait3A_539 = tpu.memref_slice %arg7[%dma_wait3A_536, %dma_wait3A_537, %dma_wait3A_538] : memref<6x128x128xf32, #tpu.memory_space<vmem>> -> memref<1x128x128xf32, #tpu.memory_space<vmem>>
    %dma_wait3A_540 = tpu.memref_squeeze %dma_wait3A_539 : memref<1x128x128xf32, #tpu.memory_space<vmem>> -> memref<128x128xf32, #tpu.memory_space<vmem>>
    %dma_wait3A_541 = arith.constant 0 : i32
    %dma_wait3A_542 = tpu.memref_slice %arg6[%dma_wait3A_534, %dma_wait3A_535, %dma_wait3A_541] : memref<3x4x128xi32, #tpu.memory_space<vmem>> -> memref<1x1x128xi32, #tpu.memory_space<vmem>>
    %dma_wait3A_543 = tpu.memref_squeeze %dma_wait3A_542 : memref<1x1x128xi32, #tpu.memory_space<vmem>> -> memref<128xi32, #tpu.memory_space<vmem>>
    %dma_wait3A_544 = arith.constant 0 : i32
    %dma_wait3A_545 = arith.constant 0 : i32
    %dma_wait3A_546 = tpu.memref_slice %arg2[%dma_wait3A_544, %dma_wait3A_545] : memref<1000000x128xf32, #tpu.memory_space<hbm>> -> memref<1000000x128xf32, #tpu.memory_space<hbm>>
    tpu.wait_indirect_dma semaphore(%arg9 : memref<!tpu.dma_semaphore, #tpu.memory_space<semaphore_mem>>) src(%dma_wait3A_546 : memref<1000000x128xf32, #tpu.memory_space<hbm>>) dst(%dma_wait3A_540 : memref<128x128xf32, #tpu.memory_space<vmem>>)
    %add3A_547 = arith.constant 384 : i32
    %add3A_548 = arith.addi %mul3A_2, %add3A_547 : i32
    %dma_start3A_549 = arith.constant 1 : i32
    %dma_start3A_550 = arith.constant 0 : i32
    %dma_start3A_551 = arith.constant 0 : i32
    %dma_start3A_552 = arith.constant 0 : i32
    %dma_start3A_553 = tpu.memref_slice %arg7[%dma_start3A_549, %dma_start3A_551, %dma_start3A_552] : memref<6x128x128xf32, #tpu.memory_space<vmem>> -> memref<1x128x128xf32, #tpu.memory_space<vmem>>
    %dma_start3A_554 = tpu.memref_squeeze %dma_start3A_553 : memref<1x128x128xf32, #tpu.memory_space<vmem>> -> memref<128x128xf32, #tpu.memory_space<vmem>>
    %dma_start3A_555 = arith.constant 0 : i32
    %dma_start3A_556 = tpu.memref_slice %arg5[%dma_start3A_550, %add3A_548, %dma_start3A_555] : memref<3x16384x128xf32, #tpu.memory_space<hbm>> -> memref<1x128x128xf32, #tpu.memory_space<hbm>>
    %dma_start3A_557 = tpu.memref_squeeze %dma_start3A_556 : memref<1x128x128xf32, #tpu.memory_space<hbm>> -> memref<128x128xf32, #tpu.memory_space<hbm>>
    %dma_start3A_558 = arith.constant 0 : i32
    %dma_start3A_559 = tpu.memref_slice %arg5[%dma_start3A_550, %add3A_548, %dma_start3A_558] : memref<3x16384x128xf32, #tpu.memory_space<hbm>> -> memref<1x128x128xf32, #tpu.memory_space<hbm>>
    %dma_start3A_560 = tpu.memref_squeeze %dma_start3A_559 : memref<1x128x128xf32, #tpu.memory_space<hbm>> -> memref<128x128xf32, #tpu.memory_space<hbm>>
    %dma_start3A_561 = arith.constant 0 : i32
    %dma_start3A_562 = arith.constant 0 : i32
    %dma_start3A_563 = tpu.memref_slice %arg7[%dma_start3A_549, %dma_start3A_561, %dma_start3A_562] : memref<6x128x128xf32, #tpu.memory_space<vmem>> -> memref<1x128x128xf32, #tpu.memory_space<vmem>>
    %dma_start3A_564 = tpu.memref_squeeze %dma_start3A_563 : memref<1x128x128xf32, #tpu.memory_space<vmem>> -> memref<128x128xf32, #tpu.memory_space<vmem>>
    tpu.enqueue_dma source(%dma_start3A_564 : memref<128x128xf32, #tpu.memory_space<vmem>>) target(%dma_start3A_560 : memref<128x128xf32, #tpu.memory_space<hbm>>) target_semaphore(%arg9 : memref<!tpu.dma_semaphore, #tpu.memory_space<semaphore_mem>>)
    %dma_wait3A_565 = arith.constant 1 : i32
    %dma_wait3A_566 = arith.constant 3 : i32
    %dma_wait3A_567 = arith.constant 3 : i32
    %dma_wait3A_568 = arith.constant 0 : i32
    %dma_wait3A_569 = arith.constant 0 : i32
    %dma_wait3A_570 = tpu.memref_slice %arg7[%dma_wait3A_567, %dma_wait3A_568, %dma_wait3A_569] : memref<6x128x128xf32, #tpu.memory_space<vmem>> -> memref<1x128x128xf32, #tpu.memory_space<vmem>>
    %dma_wait3A_571 = tpu.memref_squeeze %dma_wait3A_570 : memref<1x128x128xf32, #tpu.memory_space<vmem>> -> memref<128x128xf32, #tpu.memory_space<vmem>>
    %dma_wait3A_572 = arith.constant 0 : i32
    %dma_wait3A_573 = tpu.memref_slice %arg6[%dma_wait3A_565, %dma_wait3A_566, %dma_wait3A_572] : memref<3x4x128xi32, #tpu.memory_space<vmem>> -> memref<1x1x128xi32, #tpu.memory_space<vmem>>
    %dma_wait3A_574 = tpu.memref_squeeze %dma_wait3A_573 : memref<1x1x128xi32, #tpu.memory_space<vmem>> -> memref<128xi32, #tpu.memory_space<vmem>>
    %dma_wait3A_575 = arith.constant 0 : i32
    %dma_wait3A_576 = arith.constant 0 : i32
    %dma_wait3A_577 = tpu.memref_slice %arg3[%dma_wait3A_575, %dma_wait3A_576] : memref<100000x128xf32, #tpu.memory_space<hbm>> -> memref<100000x128xf32, #tpu.memory_space<hbm>>
    tpu.wait_indirect_dma semaphore(%arg11 : memref<!tpu.dma_semaphore, #tpu.memory_space<semaphore_mem>>) src(%dma_wait3A_577 : memref<100000x128xf32, #tpu.memory_space<hbm>>) dst(%dma_wait3A_571 : memref<128x128xf32, #tpu.memory_space<vmem>>)
    %add3A_578 = arith.constant 384 : i32
    %add3A_579 = arith.addi %mul3A_2, %add3A_578 : i32
    %dma_start3A_580 = arith.constant 3 : i32
    %dma_start3A_581 = arith.constant 1 : i32
    %dma_start3A_582 = arith.constant 0 : i32
    %dma_start3A_583 = arith.constant 0 : i32
    %dma_start3A_584 = tpu.memref_slice %arg7[%dma_start3A_580, %dma_start3A_582, %dma_start3A_583] : memref<6x128x128xf32, #tpu.memory_space<vmem>> -> memref<1x128x128xf32, #tpu.memory_space<vmem>>
    %dma_start3A_585 = tpu.memref_squeeze %dma_start3A_584 : memref<1x128x128xf32, #tpu.memory_space<vmem>> -> memref<128x128xf32, #tpu.memory_space<vmem>>
    %dma_start3A_586 = arith.constant 0 : i32
    %dma_start3A_587 = tpu.memref_slice %arg5[%dma_start3A_581, %add3A_579, %dma_start3A_586] : memref<3x16384x128xf32, #tpu.memory_space<hbm>> -> memref<1x128x128xf32, #tpu.memory_space<hbm>>
    %dma_start3A_588 = tpu.memref_squeeze %dma_start3A_587 : memref<1x128x128xf32, #tpu.memory_space<hbm>> -> memref<128x128xf32, #tpu.memory_space<hbm>>
    %dma_start3A_589 = arith.constant 0 : i32
    %dma_start3A_590 = tpu.memref_slice %arg5[%dma_start3A_581, %add3A_579, %dma_start3A_589] : memref<3x16384x128xf32, #tpu.memory_space<hbm>> -> memref<1x128x128xf32, #tpu.memory_space<hbm>>
    %dma_start3A_591 = tpu.memref_squeeze %dma_start3A_590 : memref<1x128x128xf32, #tpu.memory_space<hbm>> -> memref<128x128xf32, #tpu.memory_space<hbm>>
    %dma_start3A_592 = arith.constant 0 : i32
    %dma_start3A_593 = arith.constant 0 : i32
    %dma_start3A_594 = tpu.memref_slice %arg7[%dma_start3A_580, %dma_start3A_592, %dma_start3A_593] : memref<6x128x128xf32, #tpu.memory_space<vmem>> -> memref<1x128x128xf32, #tpu.memory_space<vmem>>
    %dma_start3A_595 = tpu.memref_squeeze %dma_start3A_594 : memref<1x128x128xf32, #tpu.memory_space<vmem>> -> memref<128x128xf32, #tpu.memory_space<vmem>>
    tpu.enqueue_dma source(%dma_start3A_595 : memref<128x128xf32, #tpu.memory_space<vmem>>) target(%dma_start3A_591 : memref<128x128xf32, #tpu.memory_space<hbm>>) target_semaphore(%arg11 : memref<!tpu.dma_semaphore, #tpu.memory_space<semaphore_mem>>)
    %dma_wait3A_596 = arith.constant 2 : i32
    %dma_wait3A_597 = arith.constant 3 : i32
    %dma_wait3A_598 = arith.constant 5 : i32
    %dma_wait3A_599 = arith.constant 0 : i32
    %dma_wait3A_600 = arith.constant 0 : i32
    %dma_wait3A_601 = tpu.memref_slice %arg7[%dma_wait3A_598, %dma_wait3A_599, %dma_wait3A_600] : memref<6x128x128xf32, #tpu.memory_space<vmem>> -> memref<1x128x128xf32, #tpu.memory_space<vmem>>
    %dma_wait3A_602 = tpu.memref_squeeze %dma_wait3A_601 : memref<1x128x128xf32, #tpu.memory_space<vmem>> -> memref<128x128xf32, #tpu.memory_space<vmem>>
    %dma_wait3A_603 = arith.constant 0 : i32
    %dma_wait3A_604 = tpu.memref_slice %arg6[%dma_wait3A_596, %dma_wait3A_597, %dma_wait3A_603] : memref<3x4x128xi32, #tpu.memory_space<vmem>> -> memref<1x1x128xi32, #tpu.memory_space<vmem>>
    %dma_wait3A_605 = tpu.memref_squeeze %dma_wait3A_604 : memref<1x1x128xi32, #tpu.memory_space<vmem>> -> memref<128xi32, #tpu.memory_space<vmem>>
    %dma_wait3A_606 = arith.constant 0 : i32
    %dma_wait3A_607 = arith.constant 0 : i32
    %dma_wait3A_608 = tpu.memref_slice %arg2[%dma_wait3A_606, %dma_wait3A_607] : memref<1000000x128xf32, #tpu.memory_space<hbm>> -> memref<1000000x128xf32, #tpu.memory_space<hbm>>
    tpu.wait_indirect_dma semaphore(%arg13 : memref<!tpu.dma_semaphore, #tpu.memory_space<semaphore_mem>>) src(%dma_wait3A_608 : memref<1000000x128xf32, #tpu.memory_space<hbm>>) dst(%dma_wait3A_602 : memref<128x128xf32, #tpu.memory_space<vmem>>)
    %add3A_609 = arith.constant 384 : i32
    %add3A_610 = arith.addi %mul3A_2, %add3A_609 : i32
    %dma_start3A_611 = arith.constant 5 : i32
    %dma_start3A_612 = arith.constant 2 : i32
    %dma_start3A_613 = arith.constant 0 : i32
    %dma_start3A_614 = arith.constant 0 : i32
    %dma_start3A_615 = tpu.memref_slice %arg7[%dma_start3A_611, %dma_start3A_613, %dma_start3A_614] : memref<6x128x128xf32, #tpu.memory_space<vmem>> -> memref<1x128x128xf32, #tpu.memory_space<vmem>>
    %dma_start3A_616 = tpu.memref_squeeze %dma_start3A_615 : memref<1x128x128xf32, #tpu.memory_space<vmem>> -> memref<128x128xf32, #tpu.memory_space<vmem>>
    %dma_start3A_617 = arith.constant 0 : i32
    %dma_start3A_618 = tpu.memref_slice %arg5[%dma_start3A_612, %add3A_610, %dma_start3A_617] : memref<3x16384x128xf32, #tpu.memory_space<hbm>> -> memref<1x128x128xf32, #tpu.memory_space<hbm>>
    %dma_start3A_619 = tpu.memref_squeeze %dma_start3A_618 : memref<1x128x128xf32, #tpu.memory_space<hbm>> -> memref<128x128xf32, #tpu.memory_space<hbm>>
    %dma_start3A_620 = arith.constant 0 : i32
    %dma_start3A_621 = tpu.memref_slice %arg5[%dma_start3A_612, %add3A_610, %dma_start3A_620] : memref<3x16384x128xf32, #tpu.memory_space<hbm>> -> memref<1x128x128xf32, #tpu.memory_space<hbm>>
    %dma_start3A_622 = tpu.memref_squeeze %dma_start3A_621 : memref<1x128x128xf32, #tpu.memory_space<hbm>> -> memref<128x128xf32, #tpu.memory_space<hbm>>
    %dma_start3A_623 = arith.constant 0 : i32
    %dma_start3A_624 = arith.constant 0 : i32
    %dma_start3A_625 = tpu.memref_slice %arg7[%dma_start3A_611, %dma_start3A_623, %dma_start3A_624] : memref<6x128x128xf32, #tpu.memory_space<vmem>> -> memref<1x128x128xf32, #tpu.memory_space<vmem>>
    %dma_start3A_626 = tpu.memref_squeeze %dma_start3A_625 : memref<1x128x128xf32, #tpu.memory_space<vmem>> -> memref<128x128xf32, #tpu.memory_space<vmem>>
    tpu.enqueue_dma source(%dma_start3A_626 : memref<128x128xf32, #tpu.memory_space<vmem>>) target(%dma_start3A_622 : memref<128x128xf32, #tpu.memory_space<hbm>>) target_semaphore(%arg13 : memref<!tpu.dma_semaphore, #tpu.memory_space<semaphore_mem>>)
    %dma_wait3A_627 = arith.constant 0 : i32
    %dma_wait3A_628 = arith.constant 0 : i32
    %dma_wait3A_629 = arith.constant 0 : i32
    %dma_wait3A_630 = arith.constant 0 : i32
    %dma_wait3A_631 = tpu.memref_slice %arg7[%dma_wait3A_627, %dma_wait3A_629, %dma_wait3A_630] : memref<6x128x128xf32, #tpu.memory_space<vmem>> -> memref<1x128x128xf32, #tpu.memory_space<vmem>>
    %dma_wait3A_632 = tpu.memref_squeeze %dma_wait3A_631 : memref<1x128x128xf32, #tpu.memory_space<vmem>> -> memref<128x128xf32, #tpu.memory_space<vmem>>
    %dma_wait3A_633 = arith.constant 0 : i32
    %dma_wait3A_634 = tpu.memref_slice %arg5[%dma_wait3A_628, %add3A_368, %dma_wait3A_633] : memref<3x16384x128xf32, #tpu.memory_space<hbm>> -> memref<1x128x128xf32, #tpu.memory_space<hbm>>
    %dma_wait3A_635 = tpu.memref_squeeze %dma_wait3A_634 : memref<1x128x128xf32, #tpu.memory_space<hbm>> -> memref<128x128xf32, #tpu.memory_space<hbm>>
    %dma_wait3A_636 = arith.constant 0 : i32
    %dma_wait3A_637 = tpu.memref_slice %arg5[%dma_wait3A_628, %add3A_368, %dma_wait3A_636] : memref<3x16384x128xf32, #tpu.memory_space<hbm>> -> memref<1x128x128xf32, #tpu.memory_space<hbm>>
    %dma_wait3A_638 = tpu.memref_squeeze %dma_wait3A_637 : memref<1x128x128xf32, #tpu.memory_space<hbm>> -> memref<128x128xf32, #tpu.memory_space<hbm>>
    %dma_wait3A_639 = arith.constant 0 : i32
    %dma_wait3A_640 = arith.constant 0 : i32
    %dma_wait3A_641 = tpu.memref_slice %arg7[%dma_wait3A_627, %dma_wait3A_639, %dma_wait3A_640] : memref<6x128x128xf32, #tpu.memory_space<vmem>> -> memref<1x128x128xf32, #tpu.memory_space<vmem>>
    %dma_wait3A_642 = tpu.memref_squeeze %dma_wait3A_641 : memref<1x128x128xf32, #tpu.memory_space<vmem>> -> memref<128x128xf32, #tpu.memory_space<vmem>>
    tpu.wait_dma2 semaphore(%arg8 : memref<!tpu.dma_semaphore, #tpu.memory_space<semaphore_mem>>) src(%dma_wait3A_642 : memref<128x128xf32, #tpu.memory_space<vmem>>) dst(%dma_wait3A_638 : memref<128x128xf32, #tpu.memory_space<hbm>>)
    %dma_wait3A_643 = arith.constant 1 : i32
    %dma_wait3A_644 = arith.constant 0 : i32
    %dma_wait3A_645 = arith.constant 0 : i32
    %dma_wait3A_646 = arith.constant 0 : i32
    %dma_wait3A_647 = tpu.memref_slice %arg7[%dma_wait3A_643, %dma_wait3A_645, %dma_wait3A_646] : memref<6x128x128xf32, #tpu.memory_space<vmem>> -> memref<1x128x128xf32, #tpu.memory_space<vmem>>
    %dma_wait3A_648 = tpu.memref_squeeze %dma_wait3A_647 : memref<1x128x128xf32, #tpu.memory_space<vmem>> -> memref<128x128xf32, #tpu.memory_space<vmem>>
    %dma_wait3A_649 = arith.constant 0 : i32
    %dma_wait3A_650 = tpu.memref_slice %arg5[%dma_wait3A_644, %add3A_548, %dma_wait3A_649] : memref<3x16384x128xf32, #tpu.memory_space<hbm>> -> memref<1x128x128xf32, #tpu.memory_space<hbm>>
    %dma_wait3A_651 = tpu.memref_squeeze %dma_wait3A_650 : memref<1x128x128xf32, #tpu.memory_space<hbm>> -> memref<128x128xf32, #tpu.memory_space<hbm>>
    %dma_wait3A_652 = arith.constant 0 : i32
    %dma_wait3A_653 = tpu.memref_slice %arg5[%dma_wait3A_644, %add3A_548, %dma_wait3A_652] : memref<3x16384x128xf32, #tpu.memory_space<hbm>> -> memref<1x128x128xf32, #tpu.memory_space<hbm>>
    %dma_wait3A_654 = tpu.memref_squeeze %dma_wait3A_653 : memref<1x128x128xf32, #tpu.memory_space<hbm>> -> memref<128x128xf32, #tpu.memory_space<hbm>>
    %dma_wait3A_655 = arith.constant 0 : i32
    %dma_wait3A_656 = arith.constant 0 : i32
    %dma_wait3A_657 = tpu.memref_slice %arg7[%dma_wait3A_643, %dma_wait3A_655, %dma_wait3A_656] : memref<6x128x128xf32, #tpu.memory_space<vmem>> -> memref<1x128x128xf32, #tpu.memory_space<vmem>>
    %dma_wait3A_658 = tpu.memref_squeeze %dma_wait3A_657 : memref<1x128x128xf32, #tpu.memory_space<vmem>> -> memref<128x128xf32, #tpu.memory_space<vmem>>
    tpu.wait_dma2 semaphore(%arg9 : memref<!tpu.dma_semaphore, #tpu.memory_space<semaphore_mem>>) src(%dma_wait3A_658 : memref<128x128xf32, #tpu.memory_space<vmem>>) dst(%dma_wait3A_654 : memref<128x128xf32, #tpu.memory_space<hbm>>)
    %dma_wait3A_659 = arith.constant 2 : i32
    %dma_wait3A_660 = arith.constant 1 : i32
    %dma_wait3A_661 = arith.constant 0 : i32
    %dma_wait3A_662 = arith.constant 0 : i32
    %dma_wait3A_663 = tpu.memref_slice %arg7[%dma_wait3A_659, %dma_wait3A_661, %dma_wait3A_662] : memref<6x128x128xf32, #tpu.memory_space<vmem>> -> memref<1x128x128xf32, #tpu.memory_space<vmem>>
    %dma_wait3A_664 = tpu.memref_squeeze %dma_wait3A_663 : memref<1x128x128xf32, #tpu.memory_space<vmem>> -> memref<128x128xf32, #tpu.memory_space<vmem>>
    %dma_wait3A_665 = arith.constant 0 : i32
    %dma_wait3A_666 = tpu.memref_slice %arg5[%dma_wait3A_660, %add3A_428, %dma_wait3A_665] : memref<3x16384x128xf32, #tpu.memory_space<hbm>> -> memref<1x128x128xf32, #tpu.memory_space<hbm>>
    %dma_wait3A_667 = tpu.memref_squeeze %dma_wait3A_666 : memref<1x128x128xf32, #tpu.memory_space<hbm>> -> memref<128x128xf32, #tpu.memory_space<hbm>>
    %dma_wait3A_668 = arith.constant 0 : i32
    %dma_wait3A_669 = tpu.memref_slice %arg5[%dma_wait3A_660, %add3A_428, %dma_wait3A_668] : memref<3x16384x128xf32, #tpu.memory_space<hbm>> -> memref<1x128x128xf32, #tpu.memory_space<hbm>>
    %dma_wait3A_670 = tpu.memref_squeeze %dma_wait3A_669 : memref<1x128x128xf32, #tpu.memory_space<hbm>> -> memref<128x128xf32, #tpu.memory_space<hbm>>
    %dma_wait3A_671 = arith.constant 0 : i32
    %dma_wait3A_672 = arith.constant 0 : i32
    %dma_wait3A_673 = tpu.memref_slice %arg7[%dma_wait3A_659, %dma_wait3A_671, %dma_wait3A_672] : memref<6x128x128xf32, #tpu.memory_space<vmem>> -> memref<1x128x128xf32, #tpu.memory_space<vmem>>
    %dma_wait3A_674 = tpu.memref_squeeze %dma_wait3A_673 : memref<1x128x128xf32, #tpu.memory_space<vmem>> -> memref<128x128xf32, #tpu.memory_space<vmem>>
    tpu.wait_dma2 semaphore(%arg10 : memref<!tpu.dma_semaphore, #tpu.memory_space<semaphore_mem>>) src(%dma_wait3A_674 : memref<128x128xf32, #tpu.memory_space<vmem>>) dst(%dma_wait3A_670 : memref<128x128xf32, #tpu.memory_space<hbm>>)
    %dma_wait3A_675 = arith.constant 3 : i32
    %dma_wait3A_676 = arith.constant 1 : i32
    %dma_wait3A_677 = arith.constant 0 : i32
    %dma_wait3A_678 = arith.constant 0 : i32
    %dma_wait3A_679 = tpu.memref_slice %arg7[%dma_wait3A_675, %dma_wait3A_677, %dma_wait3A_678] : memref<6x128x128xf32, #tpu.memory_space<vmem>> -> memref<1x128x128xf32, #tpu.memory_space<vmem>>
    %dma_wait3A_680 = tpu.memref_squeeze %dma_wait3A_679 : memref<1x128x128xf32, #tpu.memory_space<vmem>> -> memref<128x128xf32, #tpu.memory_space<vmem>>
    %dma_wait3A_681 = arith.constant 0 : i32
    %dma_wait3A_682 = tpu.memref_slice %arg5[%dma_wait3A_676, %add3A_579, %dma_wait3A_681] : memref<3x16384x128xf32, #tpu.memory_space<hbm>> -> memref<1x128x128xf32, #tpu.memory_space<hbm>>
    %dma_wait3A_683 = tpu.memref_squeeze %dma_wait3A_682 : memref<1x128x128xf32, #tpu.memory_space<hbm>> -> memref<128x128xf32, #tpu.memory_space<hbm>>
    %dma_wait3A_684 = arith.constant 0 : i32
    %dma_wait3A_685 = tpu.memref_slice %arg5[%dma_wait3A_676, %add3A_579, %dma_wait3A_684] : memref<3x16384x128xf32, #tpu.memory_space<hbm>> -> memref<1x128x128xf32, #tpu.memory_space<hbm>>
    %dma_wait3A_686 = tpu.memref_squeeze %dma_wait3A_685 : memref<1x128x128xf32, #tpu.memory_space<hbm>> -> memref<128x128xf32, #tpu.memory_space<hbm>>
    %dma_wait3A_687 = arith.constant 0 : i32
    %dma_wait3A_688 = arith.constant 0 : i32
    %dma_wait3A_689 = tpu.memref_slice %arg7[%dma_wait3A_675, %dma_wait3A_687, %dma_wait3A_688] : memref<6x128x128xf32, #tpu.memory_space<vmem>> -> memref<1x128x128xf32, #tpu.memory_space<vmem>>
    %dma_wait3A_690 = tpu.memref_squeeze %dma_wait3A_689 : memref<1x128x128xf32, #tpu.memory_space<vmem>> -> memref<128x128xf32, #tpu.memory_space<vmem>>
    tpu.wait_dma2 semaphore(%arg11 : memref<!tpu.dma_semaphore, #tpu.memory_space<semaphore_mem>>) src(%dma_wait3A_690 : memref<128x128xf32, #tpu.memory_space<vmem>>) dst(%dma_wait3A_686 : memref<128x128xf32, #tpu.memory_space<hbm>>)
    %dma_wait3A_691 = arith.constant 4 : i32
    %dma_wait3A_692 = arith.constant 2 : i32
    %dma_wait3A_693 = arith.constant 0 : i32
    %dma_wait3A_694 = arith.constant 0 : i32
    %dma_wait3A_695 = tpu.memref_slice %arg7[%dma_wait3A_691, %dma_wait3A_693, %dma_wait3A_694] : memref<6x128x128xf32, #tpu.memory_space<vmem>> -> memref<1x128x128xf32, #tpu.memory_space<vmem>>
    %dma_wait3A_696 = tpu.memref_squeeze %dma_wait3A_695 : memref<1x128x128xf32, #tpu.memory_space<vmem>> -> memref<128x128xf32, #tpu.memory_space<vmem>>
    %dma_wait3A_697 = arith.constant 0 : i32
    %dma_wait3A_698 = tpu.memref_slice %arg5[%dma_wait3A_692, %add3A_488, %dma_wait3A_697] : memref<3x16384x128xf32, #tpu.memory_space<hbm>> -> memref<1x128x128xf32, #tpu.memory_space<hbm>>
    %dma_wait3A_699 = tpu.memref_squeeze %dma_wait3A_698 : memref<1x128x128xf32, #tpu.memory_space<hbm>> -> memref<128x128xf32, #tpu.memory_space<hbm>>
    %dma_wait3A_700 = arith.constant 0 : i32
    %dma_wait3A_701 = tpu.memref_slice %arg5[%dma_wait3A_692, %add3A_488, %dma_wait3A_700] : memref<3x16384x128xf32, #tpu.memory_space<hbm>> -> memref<1x128x128xf32, #tpu.memory_space<hbm>>
    %dma_wait3A_702 = tpu.memref_squeeze %dma_wait3A_701 : memref<1x128x128xf32, #tpu.memory_space<hbm>> -> memref<128x128xf32, #tpu.memory_space<hbm>>
    %dma_wait3A_703 = arith.constant 0 : i32
    %dma_wait3A_704 = arith.constant 0 : i32
    %dma_wait3A_705 = tpu.memref_slice %arg7[%dma_wait3A_691, %dma_wait3A_703, %dma_wait3A_704] : memref<6x128x128xf32, #tpu.memory_space<vmem>> -> memref<1x128x128xf32, #tpu.memory_space<vmem>>
    %dma_wait3A_706 = tpu.memref_squeeze %dma_wait3A_705 : memref<1x128x128xf32, #tpu.memory_space<vmem>> -> memref<128x128xf32, #tpu.memory_space<vmem>>
    tpu.wait_dma2 semaphore(%arg12 : memref<!tpu.dma_semaphore, #tpu.memory_space<semaphore_mem>>) src(%dma_wait3A_706 : memref<128x128xf32, #tpu.memory_space<vmem>>) dst(%dma_wait3A_702 : memref<128x128xf32, #tpu.memory_space<hbm>>)
    %dma_wait3A_707 = arith.constant 5 : i32
    %dma_wait3A_708 = arith.constant 2 : i32
    %dma_wait3A_709 = arith.constant 0 : i32
    %dma_wait3A_710 = arith.constant 0 : i32
    %dma_wait3A_711 = tpu.memref_slice %arg7[%dma_wait3A_707, %dma_wait3A_709, %dma_wait3A_710] : memref<6x128x128xf32, #tpu.memory_space<vmem>> -> memref<1x128x128xf32, #tpu.memory_space<vmem>>
    %dma_wait3A_712 = tpu.memref_squeeze %dma_wait3A_711 : memref<1x128x128xf32, #tpu.memory_space<vmem>> -> memref<128x128xf32, #tpu.memory_space<vmem>>
    %dma_wait3A_713 = arith.constant 0 : i32
    %dma_wait3A_714 = tpu.memref_slice %arg5[%dma_wait3A_708, %add3A_610, %dma_wait3A_713] : memref<3x16384x128xf32, #tpu.memory_space<hbm>> -> memref<1x128x128xf32, #tpu.memory_space<hbm>>
    %dma_wait3A_715 = tpu.memref_squeeze %dma_wait3A_714 : memref<1x128x128xf32, #tpu.memory_space<hbm>> -> memref<128x128xf32, #tpu.memory_space<hbm>>
    %dma_wait3A_716 = arith.constant 0 : i32
    %dma_wait3A_717 = tpu.memref_slice %arg5[%dma_wait3A_708, %add3A_610, %dma_wait3A_716] : memref<3x16384x128xf32, #tpu.memory_space<hbm>> -> memref<1x128x128xf32, #tpu.memory_space<hbm>>
    %dma_wait3A_718 = tpu.memref_squeeze %dma_wait3A_717 : memref<1x128x128xf32, #tpu.memory_space<hbm>> -> memref<128x128xf32, #tpu.memory_space<hbm>>
    %dma_wait3A_719 = arith.constant 0 : i32
    %dma_wait3A_720 = arith.constant 0 : i32
    %dma_wait3A_721 = tpu.memref_slice %arg7[%dma_wait3A_707, %dma_wait3A_719, %dma_wait3A_720] : memref<6x128x128xf32, #tpu.memory_space<vmem>> -> memref<1x128x128xf32, #tpu.memory_space<vmem>>
    %dma_wait3A_722 = tpu.memref_squeeze %dma_wait3A_721 : memref<1x128x128xf32, #tpu.memory_space<vmem>> -> memref<128x128xf32, #tpu.memory_space<vmem>>
    tpu.wait_dma2 semaphore(%arg13 : memref<!tpu.dma_semaphore, #tpu.memory_space<semaphore_mem>>) src(%dma_wait3A_722 : memref<128x128xf32, #tpu.memory_space<vmem>>) dst(%dma_wait3A_718 : memref<128x128xf32, #tpu.memory_space<hbm>>)
    return
  }
}

</mosaic_0001>

<sc_bundles>
// kernel: _run.3.cloned.1.call-start
scs
__scs_entry_jumppad:
0x0: {  	(pc) =	sbr.rel $0x88, $3  }
0x1: {  	(tag) =	ssettag $0x0;
	lr =	simm.s32 $0x1  }
0x2: {  	[smem:$0x3F9E] =	sst lr;
	_ =	strace $0xD0000000  }
0x3: {  	_ = 	snop  }
0x4: {  	_ = 	snop  }
0x5: {  	_ = 	snop  }
0x6: {  	_ = 	snop  }
0x7: {  	_ = 	snop  }
__scs_overlays_trampoline_lowered:
0x8: {  	[smem:$0x3FAD] =	sst s0  }
0x9: {  	[smem:$0x3FAE] =	sst s1  }
0xa: {  	[smem:$0x3FAF] =	sst s2  }
0xb: {  	[smem:$0x3FB0] =	sst s3  }
0xc: {  	[smem:$0x3FB1] =	sst s4  }
0xd: {  	[smem:$0x3FB2] =	sst s5  }
0xe: {  	[smem:$0x3FB3] =	sst s6  }
0xf: {  	[smem:$0x3FB4] =	sst s7  }
0x10: {  	[smem:$0x3FB5] =	sst s8  }
0x11: {  	[smem:$0x3FB6] =	sst s9;
	s0 =	simm.s32 @!p0 $0x0  }
0x12: {  	s1 =	sld [smem:$0x3F9C];
	s0 =	simm.s32 @p0 $0x1  }
0x13: {  	[smem:$0x3FB7] =	sst s0;
	s0 =	simm.s32 @!p1 $0x0  }
0x14: {  	s2 =	sld [smem:$0x3F9B];
	s0 =	simm.s32 @p1 $0x1  }
0x15: {  	[smem:$0x3FB8] =	sst s0;
	s0 =	simm.s32 @!p2 $0x0  }
0x16: {  	s3 =	sld [smem:$0x3FDB];
	s0 =	simm.s32 @p2 $0x1  }
0x17: {  	s4 =	simm.s32 $0x1BF5;
	[smem:$0x3FBA] =	sst s0  }
0x18: {  	s0 =	sld [smem:$0x3F9D];
	_ =	swait.ge [sflag:s4], $0x0  }
0x19: {  	s7 =	sld [smem:$0x3F9E]  }
0x1a: {  	s8 =	sadd.s32 $0xFFFFE003, lr  }
0x1b: {  	s9 =	sadd.s32 $0xFFFFFEF7, lr;
	s5 =	simm.s32 $0xFFFFFFFF;
	p2 =	slt.u32 s8, $0xFFFFF086  }
0x1c: {  	p1 =	slt.u32 s9, $0xF7A;
	s5 =	simm.s32 @!p2 $0x0  }
0x1d: {  	s5 =	simm.s32 @p1 $0x1;
	p0 =	seq.s32 s7, s2  }
0x1e: {  	s7 =	smul.u32 @!p0 $0xF7A, s2;
	p2 =	seq.s32 @!p0 s5, $0x0  }
0x1f: {  	s9 =	smul.u32 $0xF7A, s1;
	s8 =	simm.s32 @!p0 $0x1BF5;
	p2 =	por !p2, p0  }
0x20: {  	[sflag:s8] =	ssyncset.s32 @!p0 $0xFFFFF086;
	s6 =	sadd.s32 @!p0 s3, s7;
	s7 =	simm.s32 @!p0 $0x108  }
0x21: {  	s3 =	sadd.s32 s3, s9;
	s6 =	sadd.s32 @!p0 $0x88, s6;
	s7 =	simm.s32 @p2 $0x1082  }
0x22: {  	[simem:s7], [sflag:s8] =	dma.local @!p0 [hbm:s6], $0xF7A  }
0x23: {  	s9 =	sor.u32 $0xD0000000, s2;
	s6 =	simm.s32 $0x108;
	_ =	swait.ge @!p0 [sflag:s8], $0x0  }
0x24: {  	s3 =	sadd.s32 $0x88, s3;
	s6 =	simm.s32 @!p1 $0x1082;
	[sflag:s4] =	ssyncset.s32 $0xFFFFF086  }
0x25: {  	[simem:s6], [sflag:s4] =	dma.local [hbm:s3], $0xF7A  }
0x26: {  	[smem:$0x3F9E] =	sst s1;
	(tag) =	ssettag s2;
	_ =	strace s9  }
0x27: {  	s1 =	sld [smem:$0x3FAE]  }
0x28: {  	s2 =	sld [smem:$0x3FAF]  }
0x29: {  	s4 =	sld [smem:$0x3FB1]  }
0x2a: {  	p0 =	seq.s32 s5, $0x0;
	s5 =	sld [smem:$0x3FB2]  }
0x2b: {  	s6 =	sld [smem:$0x3FB3]  }
0x2c: {  	s7 =	sld [smem:$0x3FB4]  }
0x2d: {  	s3 =	simm.s32 $0x108;
	s8 =	sld [smem:$0x3FB5]  }
0x2e: {  	s3 =	simm.s32 @!p0 $0x1082;
	s9 =	sld [smem:$0x3FB6]  }
0x2f: {  	lr =	sadd.s32 s0, s3;
	s0 =	sld [smem:$0x3FAD]  }
0x30: {  	s3 =	sld [smem:$0x3FB0]  }
0x31: {  	[smem:$0x3FB9] =	sst s10  }
0x32: {  	s10 =	sld [smem:$0x3FB7];
	_ =	sdelay $0x3  }
0x33: {  	p0 =	seq.s32 s10, $0x1;
	s10 =	sld [smem:$0x3FB9];
	_ =	sdelay $0x3  }
0x34: {  	[smem:$0x3FB9] =	sst s10  }
0x35: {  	s10 =	sld [smem:$0x3FB8];
	_ =	sdelay $0x3  }
0x36: {  	p1 =	seq.s32 s10, $0x1;
	s10 =	sld [smem:$0x3FB9];
	_ =	sdelay $0x3  }
0x37: {  	[smem:$0x3FB9] =	sst s10  }
0x38: {  	s10 =	sld [smem:$0x3FBA]  }
0x39: {  	_ = 	snop;
	(pc) =	sbr.ind lr, $3  }
0x3a: {  	_ = 	snop  }
0x3b: {  	_ = 	snop  }
0x3c: {  	p2 =	seq.s32 s10, $0x1;
	s10 =	sld [smem:$0x3FB9]  }
0x3d: {  	_ =	shalt  }
0x3e: {  	_ =	shalt  }
0x3f: {  	_ =	shalt  }
0x40: {  	_ =	shalt  }
0x41: {  	_ =	shalt  }
0x42: {  	_ =	shalt  }
0x43: {  	_ =	shalt  }
0x44: {  	_ =	shalt  }
0x45: {  	_ =	shalt  }
0x46: {  	_ =	shalt  }
0x47: {  	_ =	shalt  }
0x48: {  	_ =	shalt  }
0x49: {  	_ =	shalt  }
0x4a: {  	_ =	shalt  }
0x4b: {  	_ =	shalt  }
0x4c: {  	_ =	shalt  }
0x4d: {  	_ =	shalt  }
0x4e: {  	_ =	shalt  }
0x4f: {  	_ =	shalt  }
0x50: {  	_ =	shalt  }
0x51: {  	_ =	shalt  }
0x52: {  	_ =	shalt  }
0x53: {  	_ =	shalt  }
0x54: {  	_ =	shalt  }
0x55: {  	_ =	shalt  }
0x56: {  	_ =	shalt  }
0x57: {  	_ =	shalt  }
0x58: {  	_ =	shalt  }
0x59: {  	_ =	shalt  }
0x5a: {  	_ =	shalt  }
0x5b: {  	_ =	shalt  }
0x5c: {  	_ =	shalt  }
0x5d: {  	_ =	shalt  }
0x5e: {  	_ =	shalt  }
0x5f: {  	_ =	shalt  }
0x60: {  	_ =	shalt  }
0x61: {  	_ =	shalt  }
0x62: {  	_ =	shalt  }
0x63: {  	_ =	shalt  }
0x64: {  	_ =	shalt  }
0x65: {  	_ =	shalt  }
0x66: {  	_ =	shalt  }
0x67: {  	_ =	shalt  }
0x68: {  	_ =	shalt  }
0x69: {  	_ =	shalt  }
0x6a: {  	_ =	shalt  }
0x6b: {  	_ =	shalt  }
0x6c: {  	_ =	shalt  }
0x6d: {  	_ =	shalt  }
0x6e: {  	_ =	shalt  }
0x6f: {  	_ =	shalt  }
0x70: {  	_ =	shalt  }
0x71: {  	_ =	shalt  }
0x72: {  	_ =	shalt  }
0x73: {  	_ =	shalt  }
0x74: {  	_ =	shalt  }
0x75: {  	_ =	shalt  }
0x76: {  	_ =	shalt  }
0x77: {  	_ =	shalt  }
0x78: {  	_ =	shalt  }
0x79: {  	_ =	shalt  }
0x7a: {  	_ =	shalt  }
0x7b: {  	_ =	shalt  }
0x7c: {  	_ =	shalt  }
0x7d: {  	_ =	shalt  }
0x7e: {  	_ =	shalt  }
0x7f: {  	_ =	shalt  }
0x80: {  	_ =	shalt  }
0x81: {  	_ =	shalt  }
0x82: {  	_ =	shalt  }
0x83: {  	_ =	shalt  }
0x84: {  	_ =	shalt  }
0x85: {  	_ =	shalt  }
0x86: {  	_ =	shalt  }
0x87: {  	_ =	shalt  }
.Lfunc_end0:
.L_simem_size_0:
called_computation_lowered:
.L_overlay_start_0:
0x88: {  	s2 =	sld [smem:$0x3FD9]  }
0x89: {  	s3 =	sld [smem:$0x3FFE];
	_ =	sdelay $0x1  }
0x8a: {  	s1 =	srdreg.scid  }
0x8b: {  	s0 =	sand.u32 $0x1, s1  }
0x8c: {  	s18 =	sshll.u32 s0, $0xA;
	s2 =	sadd.s32 s3, s2  }
0x8d: {  	s2 =	sadd.s32 s2, s18  }
0x8e: {  	[smem:$0x3FC5] =	sst s2  }
0x8f: {  	_ = 	snop  }
0x90: {  	s2 =	sld [smem:$0x3FC9]  }
0x91: {  	s19 =	sld [smem:$0x3FC8]  }
0x92: {  	s4 =	sld [smem:$0x3FC7]  }
0x93: {  	s5 =	sld [smem:$0x3FD0];
	(tm) =	ssettm $0x1  }
0x94: {  	s6 =	sld [smem:$0x3FFB];
	_ =	sdelay $0x3  }
0x95: {  	_ =	strace s6  }
0x96: {  	s6 =	sld [smem:$0x3FFC];
	_ =	sdelay $0x3  }
0x97: {  	_ =	strace s6  }
0x98: {  	s6 =	sld [smem:$0x3FFD];
	_ =	sdelay $0x3  }
0x99: {  	_ =	strace s6  }
0x9a: {  	_ =	strace $0x8FFFFFFF  }
0x9b: {  	s20 =	sld [smem:$0x3FDB];
	_ =	sdelay $0x1  }
0x9c: {  	s7 =	simm.s32 $_scs_section_size  }
0x9d: {  	s8 =	simm.s32 $_size__tile_overlayer_lowered;
	s9 =	simm.s32 $_tile_overlayer_lowered  }
0x9e: {  	s23 =	simm.s32 $0x1BFF;
	s22 =	sshll.u32 s9, $0x1;
	s6 =	sadd.s32 s7, s20  }
0x9f: {  	s10 =	simm.s32 $0x0;
	s21 =	sshll.u32 s8, $0x1;
	s8 =	sadd.s32 s22, s6  }
0xa0: {  	[timem:s10], [sflag:s23] =	dma.local [hbm:s8], s21  }
0xa1: {  	_ =	swait.ge [sflag:s23], s21  }
0xa2: {  	s7 =	ssub.s32 $0x0, s21;
	[sflag:s23] =	ssyncset.done $0x0  }
0xa3: {  	[sflag:s23] =	ssyncadd.s32 s7;
	_ =	sdelay $0x1  }
0xa4: {  	s24 =	simm.s32 $0x1B8B  }
0xa5: {  	_ =	swait.ge [sflag:s24], $0x1  }
0xa6: {  	[sflag:s24] =	ssyncset.done $0x0  }
0xa7: {  	s25 =	simm.s32 $0x1B8E;
	[sflag:s24] =	ssyncadd.s32 $0xFFFFFFFF  }
0xa8: {  	s26 =	simm.s32 $execute0_lowered;
	[smem:$0x3FD2] =	sst s25  }
0xa9: {  	s7 =	sshll.u32 s26, $0x1;
	_ =	strace $0x80000046;
	[dreg:$0x1] =	wrdreg $0xFFFFFFFF  }
0xaa: {  	s28 =	simm.s32 $_size_execute0_lowered;
	s6 =	sadd.s32 s6, s7;
	[dreg:$0x0] =	wrdreg $0x0  }
0xab: {  	s7 =	sshll.u32 s28, $0x1;
	[dreg:$0x2] =	wrdreg s6  }
0xac: {  	[dreg:$0x3] =	wrdreg s7  }
0xad: {  	[dreg:$0x4] =	wrdreg $0xC0  }
0xae: {  	_ =	task [dreg:s10], $0x5FFFF  }
0xaf: {  	[dreg:$0x1] =	wrdreg $0xFFFFFFFF  }
0xb0: {  	[dreg:$0x0] =	wrdreg $0x60  }
0xb1: {  	[dreg:$0x2] =	wrdreg s2  }
0xb2: {  	[dreg:$0x3] =	wrdreg s19  }
0xb3: {  	[dreg:$0x4] =	wrdreg s4  }
0xb4: {  	[dreg:$0x5] =	wrdreg s5  }
0xb5: {  	[dreg:$0x6] =	wrdreg $0x9  }
0xb6: {  	_ =	task.clear_ibuf [dreg:s10], $0x7FFFF;
	_ =	strace $0x90000046  }
0xb7: {  	s29 =	simm.s32 $0x9;
	_ =	strace $0x80000048  }
0xb8: {  	_ =	swait.ge [sflag:s29], $0x1  }
0xb9: {  	[sflag:s29] =	ssyncadd.s32 $0xFFFFFFFF  }
0xba: {  	_ =	strace $0x90000048  }
0xbb: {  	_ =	sfence  }
0xbc: {  	s30 =	sld [smem:$0x0];
	_ =	sdelay $0x2  }
0xbd: {  	s31 =	sshll.u32 s1, $0xD;
	s1 =	sshrl.u32 s1, $0x2  }
0xbe: {  	s3 =	sand.u32 $0x4000, s31;
	s1 =	sadd.s32 s1, s30  }
0xbf: {  	s0 =	sor.u32 s3, s0;
	s1 =	sshll.u32 s1, $0x11  }
0xc0: {  	s0 =	sor.u32 s1, s0  }
0xc1: {  	s0 =	sadd.s32 $0x8F2B, s0  }
0xc2: {  	[sflag:s0] =	ssyncadd.remote.s32 $0x1  }
0xc3: {  	_ =	sfence.sel $0xFFFF  }
0xc4: {  	[dreg:$0x0] =	wrdreg $0xFFFFFFFF;
	(pc) =	sbr.abs _section_cstart, $3  }
0xc5: {  	[dreg:$0x1] =	wrdreg $0xFFFFFFFF  }
0xc6: {  	_ =	task.clear_ibuf [dreg:s10], $0x2FFFF;
	_ =	strace $0x9FFFFFFF  }
0xc7: {  	(tm) =	ssettm $0x7FFFFFFF  }
tec
execute0_lowered:
.L_overlay_start_1:
0x0: {  	(tag) =	ssettag $0x1  }
0x1: {  	s3 =	rddreg [dreg:$0x0]  }
0x2: {  	s4 =	rddreg [dreg:$0x1]  }
0x3: {  	s0 =	rddreg [dreg:$0x2]  }
0x4: {  	s1 =	rddreg [dreg:$0x3];
	s2 =	simm.s32 $0x0;
	s5 =	srdreg.scid  }
0x5: {  	s9 =	stileid.u32;
	s25 =	simm.s32 $0x200;
	s29 =	simm.s32 $0x4000  }
0x6: {  	s26 =	simm.s32 $0x7;
	s28 =	simm.s32 $0x280;
	s30 =	simm.s32 $0x400  }
0x7: {  	s31 =	simm.s32 $0x480;
	s24 =	simm.s32 $0x100;
	s5 =	sand.u32 $0x1, s5  }
0x8: {  	s7 =	sshll.u32 s9, $0xE;
	s6 =	sshll.u32 s5, $0x6;
	s8 =	sshll.u32 s5, $0xD  }
0x9: {  	s9 =	sshll.u32 s9, $0x7;
	s0 =	sadd.s32 s0, s6;
	s8 =	sor.u32 s8, s7  }
0xa: {  	[smem:$0x7FF] =	sst s2;
	s0 =	sadd.s32 s9, s0;
	s20 =	sadd.s32 s1, s8  }
0xb: {  	_ =	strace $0x80000047;
	[dreg:$0x5] =	wrdreg s0;
	s10 =	sadd.s32 $0x40000, s20  }
0xc: {  	p0 =	por $0x0, $0x0;
	s11 =	sadd.s32 $0x80000, s20;
	[dreg:$0x6] =	wrdreg s10  }
0xd: {  	s19 =	ssub.s32 $0x2, s5;
	s12 =	sadd.s32 $0x800, s20;
	[dreg:$0x7] =	wrdreg s11  }
0xe: {  	s5 =	sshrl.u32 s19, $0x1;
	s13 =	sadd.s32 $0x40800, s20;
	[dreg:$0x8] =	wrdreg s12  }
0xf: {  	s6 =	simm.s32 $0x3;
	s14 =	sadd.s32 $0x80800, s20;
	[dreg:$0x9] =	wrdreg s13  }
0x10: {  	s7 =	simm.s32 $0x6;
	s15 =	sadd.s32 $0x1000, s20;
	[dreg:$0xa] =	wrdreg s14  }
0x11: {  	s1 =	ssub.s32 s19, s5;
	s16 =	sadd.s32 $0x41000, s20;
	[dreg:$0xb] =	wrdreg s15  }
0x12: {  	s9 =	simm.s32 $0x1;
	s17 =	sadd.s32 $0x81000, s20;
	[dreg:$0xc] =	wrdreg s16  }
0x13: {  	s5 =	simm.s32 $0x5;
	s18 =	sadd.s32 $0x1800, s20;
	[dreg:$0xd] =	wrdreg s17  }
0x14: {  	s8 =	simm.s32 $0x4;
	s21 =	sadd.s32 $0x41800, s20;
	[dreg:$0xe] =	wrdreg s18  }
0x15: {  	s22 =	sadd.s32 $0x81800, s20;
	s23 =	smax.u32 s1, $0x1;
	[dreg:$0xf] =	wrdreg s21  }
0x16: {  	s19 =	simm.s32 $0x380;
	[dreg:$0x10] =	wrdreg s22;
	p1 =	sne.s32 s23, $0x1  }
.Ltmp0:
0x17: {  	s14 =	simm.s32 $0x80;
	s17 =	simm.s32 $0x600;
	(pc) =	sbr.rel @!p1 .LBB2_3-.Ltmp0, $4  }
0x18: {  	s13 =	simm.s32 $0x4600;
	s16 =	simm.s32 $0x8600;
	s12 =	simm.s32 $0xC600  }
0x19: {  	s15 =	simm.s32 $0x10600;
	s11 =	simm.s32 $0x14600;
	s10 =	simm.s32 $0x2  }
0x1a: {  	s0 =	sadd.s32 $0xFFFFFFFF, s23;
	s23 =	simm.s32 $0x300;
	s22 =	simm.s32 $0x500  }
0x1b: {  	s21 =	simm.s32 $0x180;
	s18 =	simm.s32 $0x580;
	s1 =	rddreg [dreg:$0x5]  }
0x1c: {  	[tilespmem:s2], [sflag:$0x7] =	stream.strided.gather [hbm4b:s1+s25], $0x600, s29, s25, $0x38;
	[tilespmem:$0x18600] =	vst v63  }
0x1d: {  	_ =	swait.ge [sflag:s26], $0x600  }
0x1e: {  	[sflag:s26] =	ssyncset.done $0x0  }
0x1f: {  	[sflag:s26] =	ssyncadd.s32 $0xFFFFFA00  }
0x20: {  	[tilespmem:s17], [sflag:$0x1] =	stream.indirect.gather [hbm4b:s3+s14], $0x80, s2, s14, $0xb8;
	[tilespmem:$0x18600] =	vst v63  }
0x21: {  	_ = 	snop  }
0x22: {  	[tilespmem:s13], [sflag:$0x2] =	stream.indirect.gather [hbm4b:s3+s14], $0x80, s14, s14, $0xb8;
	[tilespmem:$0x18600] =	vst v63  }
0x23: {  	_ = 	snop  }
0x24: {  	[tilespmem:s16], [sflag:$0x3] =	stream.indirect.gather [hbm4b:s4+s14], $0x80, s25, s14, $0xb8;
	[tilespmem:$0x18600] =	vst v63  }
0x25: {  	_ = 	snop  }
0x26: {  	[tilespmem:s12], [sflag:$0x4] =	stream.indirect.gather [hbm4b:s4+s14], $0x80, s28, s14, $0xb8;
	[tilespmem:$0x18600] =	vst v63  }
0x27: {  	_ = 	snop  }
0x28: {  	[tilespmem:s15], [sflag:$0x5] =	stream.indirect.gather [hbm4b:s3+s14], $0x80, s30, s14, $0xb8;
	[tilespmem:$0x18600] =	vst v63  }
0x29: {  	_ = 	snop  }
0x2a: {  	[tilespmem:s11], [sflag:$0x6] =	stream.indirect.gather [hbm4b:s3+s14], $0x80, s31, s14, $0xb8;
	[tilespmem:$0x18600] =	vst v63  }
0x2b: {  	_ =	swait.ge [sflag:s9], $0x4000  }
0x2c: {  	[sflag:s9] =	ssyncset.done $0x0  }
0x2d: {  	[sflag:s9] =	ssyncadd.s32 $0xFFFFC000  }
0x2e: {  	[hbm4b:s20+s2] =	stream.linear.scatter [tilespmem:s17], [sflag:$0x1], $0x4000, $0x38;
	[tilespmem:$0x18600] =	vst v63  }
0x2f: {  	_ =	swait.ge [sflag:s6], $0x4000  }
0x30: {  	[sflag:s6] =	ssyncset.done $0x0  }
0x31: {  	s1 =	rddreg [dreg:$0x6];
	[sflag:s6] =	ssyncadd.s32 $0xFFFFC000  }
0x32: {  	[hbm4b:s1+s2] =	stream.linear.scatter [tilespmem:s16], [sflag:$0x3], $0x4000, $0x38;
	[tilespmem:$0x18600] =	vst v63  }
0x33: {  	_ =	swait.ge [sflag:s5], $0x4000  }
0x34: {  	[sflag:s5] =	ssyncset.done $0x0  }
0x35: {  	s1 =	rddreg [dreg:$0x7];
	[sflag:s5] =	ssyncadd.s32 $0xFFFFC000  }
0x36: {  	[hbm4b:s1+s2] =	stream.linear.scatter [tilespmem:s15], [sflag:$0x5], $0x4000, $0x38;
	[tilespmem:$0x18600] =	vst v63  }
0x37: {  	_ =	swait.ge [sflag:s10], $0x4000  }
0x38: {  	[sflag:s10] =	ssyncset.done $0x0  }
0x39: {  	s1 =	rddreg [dreg:$0x8];
	[sflag:s10] =	ssyncadd.s32 $0xFFFFC000  }
0x3a: {  	[hbm4b:s1+s2] =	stream.linear.scatter [tilespmem:s13], [sflag:$0x2], $0x4000, $0x38;
	[tilespmem:$0x18600] =	vst v63  }
0x3b: {  	_ =	swait.ge [sflag:s9], $0x4000  }
0x3c: {  	[sflag:s9] =	ssyncset.done $0x0  }
0x3d: {  	[sflag:s9] =	ssyncadd.s32 $0xFFFFC000  }
0x3e: {  	[tilespmem:s17], [sflag:$0x1] =	stream.indirect.gather [hbm4b:s3+s14], $0x80, s24, s14, $0xb8;
	[tilespmem:$0x18600] =	vst v63  }
0x3f: {  	_ =	swait.ge [sflag:s8], $0x4000  }
0x40: {  	[sflag:s8] =	ssyncset.done $0x0  }
0x41: {  	s1 =	rddreg [dreg:$0x9];
	[sflag:s8] =	ssyncadd.s32 $0xFFFFC000  }
0x42: {  	[hbm4b:s1+s2] =	stream.linear.scatter [tilespmem:s12], [sflag:$0x4], $0x4000, $0x38;
	[tilespmem:$0x18600] =	vst v63  }
0x43: {  	_ =	swait.ge [sflag:s6], $0x4000  }
0x44: {  	[sflag:s6] =	ssyncset.done $0x0  }
0x45: {  	[sflag:s6] =	ssyncadd.s32 $0xFFFFC000  }
0x46: {  	[tilespmem:s16], [sflag:$0x3] =	stream.indirect.gather [hbm4b:s4+s14], $0x80, s23, s14, $0xb8;
	[tilespmem:$0x18600] =	vst v63  }
0x47: {  	_ =	swait.ge [sflag:s7], $0x4000  }
0x48: {  	[sflag:s7] =	ssyncset.done $0x0  }
0x49: {  	s1 =	rddreg [dreg:$0xa];
	[sflag:s7] =	ssyncadd.s32 $0xFFFFC000  }
0x4a: {  	[hbm4b:s1+s2] =	stream.linear.scatter [tilespmem:s11], [sflag:$0x6], $0x4000, $0x38;
	[tilespmem:$0x18600] =	vst v63  }
0x4b: {  	_ =	swait.ge [sflag:s5], $0x4000  }
0x4c: {  	[sflag:s5] =	ssyncset.done $0x0  }
0x4d: {  	[sflag:s5] =	ssyncadd.s32 $0xFFFFC000  }
0x4e: {  	[tilespmem:s15], [sflag:$0x5] =	stream.indirect.gather [hbm4b:s3+s14], $0x80, s22, s14, $0xb8;
	[tilespmem:$0x18600] =	vst v63  }
0x4f: {  	_ =	swait.ge [sflag:s9], $0x4000  }
0x50: {  	[sflag:s9] =	ssyncset.done $0x0  }
0x51: {  	s1 =	rddreg [dreg:$0xb];
	[sflag:s9] =	ssyncadd.s32 $0xFFFFC000  }
0x52: {  	[hbm4b:s1+s2] =	stream.linear.scatter [tilespmem:s17], [sflag:$0x1], $0x4000, $0x38;
	[tilespmem:$0x18600] =	vst v63  }
0x53: {  	_ =	swait.ge [sflag:s10], $0x4000  }
0x54: {  	[sflag:s10] =	ssyncset.done $0x0  }
0x55: {  	[sflag:s10] =	ssyncadd.s32 $0xFFFFC000  }
0x56: {  	[tilespmem:s13], [sflag:$0x2] =	stream.indirect.gather [hbm4b:s3+s14], $0x80, s21, s14, $0xb8;
	[tilespmem:$0x18600] =	vst v63  }
0x57: {  	_ =	swait.ge [sflag:s6], $0x4000  }
0x58: {  	[sflag:s6] =	ssyncset.done $0x0  }
0x59: {  	s1 =	rddreg [dreg:$0xc];
	[sflag:s6] =	ssyncadd.s32 $0xFFFFC000  }
0x5a: {  	[hbm4b:s1+s2] =	stream.linear.scatter [tilespmem:s16], [sflag:$0x3], $0x4000, $0x38;
	[tilespmem:$0x18600] =	vst v63  }
0x5b: {  	_ =	swait.ge [sflag:s8], $0x4000  }
0x5c: {  	[sflag:s8] =	ssyncset.done $0x0  }
0x5d: {  	[sflag:s8] =	ssyncadd.s32 $0xFFFFC000  }
0x5e: {  	[tilespmem:s12], [sflag:$0x4] =	stream.indirect.gather [hbm4b:s4+s14], $0x80, s19, s14, $0xb8;
	[tilespmem:$0x18600] =	vst v63  }
0x5f: {  	_ =	swait.ge [sflag:s5], $0x4000  }
0x60: {  	[sflag:s5] =	ssyncset.done $0x0  }
0x61: {  	s1 =	rddreg [dreg:$0xd];
	[sflag:s5] =	ssyncadd.s32 $0xFFFFC000  }
0x62: {  	[hbm4b:s1+s2] =	stream.linear.scatter [tilespmem:s15], [sflag:$0x5], $0x4000, $0x38;
	[tilespmem:$0x18600] =	vst v63  }
0x63: {  	_ =	swait.ge [sflag:s7], $0x4000  }
0x64: {  	[sflag:s7] =	ssyncset.done $0x0  }
0x65: {  	[sflag:s7] =	ssyncadd.s32 $0xFFFFC000  }
0x66: {  	[tilespmem:s11], [sflag:$0x6] =	stream.indirect.gather [hbm4b:s3+s14], $0x80, s18, s14, $0xb8;
	[tilespmem:$0x18600] =	vst v63  }
0x67: {  	_ =	swait.ge [sflag:s10], $0x4000  }
0x68: {  	[sflag:s10] =	ssyncset.done $0x0  }
0x69: {  	s1 =	rddreg [dreg:$0xe];
	[sflag:s10] =	ssyncadd.s32 $0xFFFFC000  }
0x6a: {  	[hbm4b:s1+s2] =	stream.linear.scatter [tilespmem:s13], [sflag:$0x2], $0x4000, $0x38;
	[tilespmem:$0x18600] =	vst v63  }
0x6b: {  	_ =	swait.ge [sflag:s8], $0x4000  }
0x6c: {  	[sflag:s8] =	ssyncset.done $0x0  }
0x6d: {  	s1 =	rddreg [dreg:$0xf];
	[sflag:s8] =	ssyncadd.s32 $0xFFFFC000  }
0x6e: {  	[hbm4b:s1+s2] =	stream.linear.scatter [tilespmem:s12], [sflag:$0x4], $0x4000, $0x38;
	[tilespmem:$0x18600] =	vst v63  }
0x6f: {  	_ =	swait.ge [sflag:s7], $0x4000  }
0x70: {  	[sflag:s7] =	ssyncset.done $0x0  }
0x71: {  	s1 =	rddreg [dreg:$0x10];
	[sflag:s7] =	ssyncadd.s32 $0xFFFFC000  }
0x72: {  	[hbm4b:s1+s2] =	stream.linear.scatter [tilespmem:s11], [sflag:$0x6], $0x4000, $0x38;
	[tilespmem:$0x18600] =	vst v63  }
0x73: {  	_ =	swait.ge [sflag:s9], $0x4000  }
0x74: {  	[sflag:s9] =	ssyncset.done $0x0  }
0x75: {  	[sflag:s9] =	ssyncadd.s32 $0xFFFFC000  }
0x76: {  	_ =	swait.ge [sflag:s10], $0x4000  }
0x77: {  	[sflag:s10] =	ssyncset.done $0x0  }
0x78: {  	[sflag:s10] =	ssyncadd.s32 $0xFFFFC000  }
0x79: {  	_ =	swait.ge [sflag:s6], $0x4000  }
0x7a: {  	[sflag:s6] =	ssyncset.done $0x0  }
0x7b: {  	[sflag:s6] =	ssyncadd.s32 $0xFFFFC000  }
0x7c: {  	_ =	swait.ge [sflag:s8], $0x4000  }
0x7d: {  	[sflag:s8] =	ssyncset.done $0x0  }
0x7e: {  	p1 =	sne.s32 s0, $0x1;
	[sflag:s8] =	ssyncadd.s32 $0xFFFFC000  }
.Ltmp1:
0x7f: {  	_ =	swait.ge [sflag:s5], $0x4000;
	(pc) =	sbr.rel @!p1 .LBB2_3-.Ltmp1, $4  }
0x80: {  	[sflag:s5] =	ssyncset.done $0x0  }
0x81: {  	[sflag:s5] =	ssyncadd.s32 $0xFFFFC000  }
0x82: {  	s0 =	sadd.s32 $0xFFFFFFFF, s0;
	_ =	swait.ge [sflag:s7], $0x4000  }
0x83: {  	p0 =	por $0x1, $0x1;
	s1 =	rddreg [dreg:$0x5];
	[sflag:s7] =	ssyncset.done $0x0  }
.LBB2_2:
0x84: {  	[sflag:s7] =	ssyncadd.s32 $0xFFFFC000  }
0x85: {  	[tilespmem:s2], [sflag:$0x7] =	stream.strided.gather [hbm4b:s1+s25], $0x600, s29, s25, $0x38;
	[tilespmem:$0x18600] =	vst v63  }
0x86: {  	_ =	swait.ge [sflag:s26], $0x600  }
0x87: {  	[sflag:s26] =	ssyncset.done $0x0  }
0x88: {  	[sflag:s26] =	ssyncadd.s32 $0xFFFFFA00  }
0x89: {  	[tilespmem:s17], [sflag:$0x1] =	stream.indirect.gather [hbm4b:s3+s14], $0x80, s2, s14, $0xb8;
	[tilespmem:$0x18600] =	vst v63  }
0x8a: {  	_ = 	snop  }
0x8b: {  	[tilespmem:s13], [sflag:$0x2] =	stream.indirect.gather [hbm4b:s3+s14], $0x80, s14, s14, $0xb8;
	[tilespmem:$0x18600] =	vst v63  }
0x8c: {  	_ = 	snop  }
0x8d: {  	[tilespmem:s16], [sflag:$0x3] =	stream.indirect.gather [hbm4b:s4+s14], $0x80, s25, s14, $0xb8;
	[tilespmem:$0x18600] =	vst v63  }
0x8e: {  	_ = 	snop  }
0x8f: {  	[tilespmem:s12], [sflag:$0x4] =	stream.indirect.gather [hbm4b:s4+s14], $0x80, s28, s14, $0xb8;
	[tilespmem:$0x18600] =	vst v63  }
0x90: {  	_ = 	snop  }
0x91: {  	[tilespmem:s15], [sflag:$0x5] =	stream.indirect.gather [hbm4b:s3+s14], $0x80, s30, s14, $0xb8;
	[tilespmem:$0x18600] =	vst v63  }
0x92: {  	_ = 	snop  }
0x93: {  	[tilespmem:s11], [sflag:$0x6] =	stream.indirect.gather [hbm4b:s3+s14], $0x80, s31, s14, $0xb8;
	[tilespmem:$0x18600] =	vst v63  }
0x94: {  	_ =	swait.ge [sflag:s9], $0x4000  }
0x95: {  	[sflag:s9] =	ssyncset.done $0x0  }
0x96: {  	[sflag:s9] =	ssyncadd.s32 $0xFFFFC000  }
0x97: {  	[hbm4b:s20+s2] =	stream.linear.scatter [tilespmem:s17], [sflag:$0x1], $0x4000, $0x38;
	[tilespmem:$0x18600] =	vst v63  }
0x98: {  	_ =	swait.ge [sflag:s6], $0x4000  }
0x99: {  	[sflag:s6] =	ssyncset.done $0x0  }
0x9a: {  	s1 =	rddreg [dreg:$0x6];
	[sflag:s6] =	ssyncadd.s32 $0xFFFFC000  }
0x9b: {  	[hbm4b:s1+s2] =	stream.linear.scatter [tilespmem:s16], [sflag:$0x3], $0x4000, $0x38;
	[tilespmem:$0x18600] =	vst v63  }
0x9c: {  	_ =	swait.ge [sflag:s5], $0x4000  }
0x9d: {  	[sflag:s5] =	ssyncset.done $0x0  }
0x9e: {  	s1 =	rddreg [dreg:$0x7];
	[sflag:s5] =	ssyncadd.s32 $0xFFFFC000  }
0x9f: {  	[hbm4b:s1+s2] =	stream.linear.scatter [tilespmem:s15], [sflag:$0x5], $0x4000, $0x38;
	[tilespmem:$0x18600] =	vst v63  }
0xa0: {  	_ =	swait.ge [sflag:s10], $0x4000  }
0xa1: {  	[sflag:s10] =	ssyncset.done $0x0  }
0xa2: {  	s1 =	rddreg [dreg:$0x8];
	[sflag:s10] =	ssyncadd.s32 $0xFFFFC000  }
0xa3: {  	[hbm4b:s1+s2] =	stream.linear.scatter [tilespmem:s13], [sflag:$0x2], $0x4000, $0x38;
	[tilespmem:$0x18600] =	vst v63  }
0xa4: {  	_ =	swait.ge [sflag:s9], $0x4000  }
0xa5: {  	[sflag:s9] =	ssyncset.done $0x0  }
0xa6: {  	[sflag:s9] =	ssyncadd.s32 $0xFFFFC000  }
0xa7: {  	[tilespmem:s17], [sflag:$0x1] =	stream.indirect.gather [hbm4b:s3+s14], $0x80, s24, s14, $0xb8;
	[tilespmem:$0x18600] =	vst v63  }
0xa8: {  	_ =	swait.ge [sflag:s8], $0x4000  }
0xa9: {  	[sflag:s8] =	ssyncset.done $0x0  }
0xaa: {  	s1 =	rddreg [dreg:$0x9];
	[sflag:s8] =	ssyncadd.s32 $0xFFFFC000  }
0xab: {  	[hbm4b:s1+s2] =	stream.linear.scatter [tilespmem:s12], [sflag:$0x4], $0x4000, $0x38;
	[tilespmem:$0x18600] =	vst v63  }
0xac: {  	_ =	swait.ge [sflag:s6], $0x4000  }
0xad: {  	[sflag:s6] =	ssyncset.done $0x0  }
0xae: {  	[sflag:s6] =	ssyncadd.s32 $0xFFFFC000  }
0xaf: {  	[tilespmem:s16], [sflag:$0x3] =	stream.indirect.gather [hbm4b:s4+s14], $0x80, s23, s14, $0xb8;
	[tilespmem:$0x18600] =	vst v63  }
0xb0: {  	_ =	swait.ge [sflag:s7], $0x4000  }
0xb1: {  	[sflag:s7] =	ssyncset.done $0x0  }
0xb2: {  	s1 =	rddreg [dreg:$0xa];
	[sflag:s7] =	ssyncadd.s32 $0xFFFFC000  }
0xb3: {  	[hbm4b:s1+s2] =	stream.linear.scatter [tilespmem:s11], [sflag:$0x6], $0x4000, $0x38;
	[tilespmem:$0x18600] =	vst v63  }
0xb4: {  	_ =	swait.ge [sflag:s5], $0x4000  }
0xb5: {  	[sflag:s5] =	ssyncset.done $0x0  }
0xb6: {  	[sflag:s5] =	ssyncadd.s32 $0xFFFFC000  }
0xb7: {  	[tilespmem:s15], [sflag:$0x5] =	stream.indirect.gather [hbm4b:s3+s14], $0x80, s22, s14, $0xb8;
	[tilespmem:$0x18600] =	vst v63  }
0xb8: {  	_ =	swait.ge [sflag:s9], $0x4000  }
0xb9: {  	[sflag:s9] =	ssyncset.done $0x0  }
0xba: {  	s1 =	rddreg [dreg:$0xb];
	[sflag:s9] =	ssyncadd.s32 $0xFFFFC000  }
0xbb: {  	[hbm4b:s1+s2] =	stream.linear.scatter [tilespmem:s17], [sflag:$0x1], $0x4000, $0x38;
	[tilespmem:$0x18600] =	vst v63  }
0xbc: {  	_ =	swait.ge [sflag:s10], $0x4000  }
0xbd: {  	[sflag:s10] =	ssyncset.done $0x0  }
0xbe: {  	[sflag:s10] =	ssyncadd.s32 $0xFFFFC000  }
0xbf: {  	[tilespmem:s13], [sflag:$0x2] =	stream.indirect.gather [hbm4b:s3+s14], $0x80, s21, s14, $0xb8;
	[tilespmem:$0x18600] =	vst v63  }
0xc0: {  	_ =	swait.ge [sflag:s6], $0x4000  }
0xc1: {  	[sflag:s6] =	ssyncset.done $0x0  }
0xc2: {  	s1 =	rddreg [dreg:$0xc];
	[sflag:s6] =	ssyncadd.s32 $0xFFFFC000  }
0xc3: {  	[hbm4b:s1+s2] =	stream.linear.scatter [tilespmem:s16], [sflag:$0x3], $0x4000, $0x38;
	[tilespmem:$0x18600] =	vst v63  }
0xc4: {  	_ =	swait.ge [sflag:s8], $0x4000  }
0xc5: {  	[sflag:s8] =	ssyncset.done $0x0  }
0xc6: {  	[sflag:s8] =	ssyncadd.s32 $0xFFFFC000  }
0xc7: {  	[tilespmem:s12], [sflag:$0x4] =	stream.indirect.gather [hbm4b:s4+s14], $0x80, s19, s14, $0xb8;
	[tilespmem:$0x18600] =	vst v63  }
0xc8: {  	_ =	swait.ge [sflag:s5], $0x4000  }
0xc9: {  	[sflag:s5] =	ssyncset.done $0x0  }
0xca: {  	s1 =	rddreg [dreg:$0xd];
	[sflag:s5] =	ssyncadd.s32 $0xFFFFC000  }
0xcb: {  	[hbm4b:s1+s2] =	stream.linear.scatter [tilespmem:s15], [sflag:$0x5], $0x4000, $0x38;
	[tilespmem:$0x18600] =	vst v63  }
0xcc: {  	_ =	swait.ge [sflag:s7], $0x4000  }
0xcd: {  	[sflag:s7] =	ssyncset.done $0x0  }
0xce: {  	[sflag:s7] =	ssyncadd.s32 $0xFFFFC000  }
0xcf: {  	[tilespmem:s11], [sflag:$0x6] =	stream.indirect.gather [hbm4b:s3+s14], $0x80, s18, s14, $0xb8;
	[tilespmem:$0x18600] =	vst v63  }
0xd0: {  	_ =	swait.ge [sflag:s10], $0x4000  }
0xd1: {  	[sflag:s10] =	ssyncset.done $0x0  }
0xd2: {  	s1 =	rddreg [dreg:$0xe];
	[sflag:s10] =	ssyncadd.s32 $0xFFFFC000  }
0xd3: {  	[hbm4b:s1+s2] =	stream.linear.scatter [tilespmem:s13], [sflag:$0x2], $0x4000, $0x38;
	[tilespmem:$0x18600] =	vst v63  }
0xd4: {  	_ =	swait.ge [sflag:s8], $0x4000  }
0xd5: {  	[sflag:s8] =	ssyncset.done $0x0  }
0xd6: {  	s1 =	rddreg [dreg:$0xf];
	[sflag:s8] =	ssyncadd.s32 $0xFFFFC000  }
0xd7: {  	[hbm4b:s1+s2] =	stream.linear.scatter [tilespmem:s12], [sflag:$0x4], $0x4000, $0x38;
	[tilespmem:$0x18600] =	vst v63  }
0xd8: {  	_ =	swait.ge [sflag:s7], $0x4000  }
0xd9: {  	[sflag:s7] =	ssyncset.done $0x0  }
0xda: {  	s1 =	rddreg [dreg:$0x10];
	[sflag:s7] =	ssyncadd.s32 $0xFFFFC000  }
0xdb: {  	[hbm4b:s1+s2] =	stream.linear.scatter [tilespmem:s11], [sflag:$0x6], $0x4000, $0x38;
	[tilespmem:$0x18600] =	vst v63  }
0xdc: {  	_ =	swait.ge [sflag:s9], $0x4000  }
0xdd: {  	[sflag:s9] =	ssyncset.done $0x0  }
0xde: {  	[sflag:s9] =	ssyncadd.s32 $0xFFFFC000  }
0xdf: {  	_ =	swait.ge [sflag:s10], $0x4000  }
0xe0: {  	[sflag:s10] =	ssyncset.done $0x0  }
0xe1: {  	[sflag:s10] =	ssyncadd.s32 $0xFFFFC000  }
0xe2: {  	_ =	swait.ge [sflag:s6], $0x4000  }
0xe3: {  	[sflag:s6] =	ssyncset.done $0x0  }
0xe4: {  	[sflag:s6] =	ssyncadd.s32 $0xFFFFC000  }
0xe5: {  	_ =	swait.ge [sflag:s8], $0x4000  }
0xe6: {  	[sflag:s8] =	ssyncset.done $0x0  }
0xe7: {  	p1 =	sne.s32 s0, $0x1;
	[sflag:s8] =	ssyncadd.s32 $0xFFFFC000  }
.Ltmp2:
0xe8: {  	_ =	swait.ge [sflag:s5], $0x4000;
	(pc) =	sbr.rel @p1 .LBB2_2-.Ltmp2, $4  }
0xe9: {  	[sflag:s5] =	ssyncset.done $0x0  }
0xea: {  	[sflag:s5] =	ssyncadd.s32 $0xFFFFC000  }
0xeb: {  	_ =	swait.ge [sflag:s7], $0x4000  }
0xec: {  	s0 =	sadd.s32 $0xFFFFFFFF, s0;
	s1 =	rddreg [dreg:$0x5];
	[sflag:s7] =	ssyncset.done $0x0  }
.LBB2_3:
0xed: {  	[sflag:s7] =	ssyncadd.s32 @p0 $0xFFFFC000  }
0xee: {  	[tilespmem:s2], [sflag:$0x7] =	stream.strided.gather [hbm4b:s1+s25], $0x600, s29, s25, $0x38;
	[tilespmem:$0x18600] =	vst v63  }
0xef: {  	_ =	swait.ge [sflag:s26], $0x600  }
0xf0: {  	[sflag:s26] =	ssyncset.done $0x0  }
0xf1: {  	[sflag:s26] =	ssyncadd.s32 $0xFFFFFA00  }
0xf2: {  	[tilespmem:s17], [sflag:$0x1] =	stream.indirect.gather [hbm4b:s3+s14], $0x80, s2, s14, $0xb8;
	[tilespmem:$0x18600] =	vst v63  }
0xf3: {  	_ = 	snop  }
0xf4: {  	[tilespmem:s13], [sflag:$0x2] =	stream.indirect.gather [hbm4b:s3+s14], $0x80, s14, s14, $0xb8;
	[tilespmem:$0x18600] =	vst v63  }
0xf5: {  	_ = 	snop  }
0xf6: {  	[tilespmem:s16], [sflag:$0x3] =	stream.indirect.gather [hbm4b:s4+s14], $0x80, s25, s14, $0xb8;
	[tilespmem:$0x18600] =	vst v63  }
0xf7: {  	_ = 	snop  }
0xf8: {  	[tilespmem:s12], [sflag:$0x4] =	stream.indirect.gather [hbm4b:s4+s14], $0x80, s28, s14, $0xb8;
	[tilespmem:$0x18600] =	vst v63  }
0xf9: {  	_ = 	snop  }
0xfa: {  	[tilespmem:s15], [sflag:$0x5] =	stream.indirect.gather [hbm4b:s3+s14], $0x80, s30, s14, $0xb8;
	[tilespmem:$0x18600] =	vst v63  }
0xfb: {  	_ = 	snop  }
0xfc: {  	[tilespmem:s11], [sflag:$0x6] =	stream.indirect.gather [hbm4b:s3+s14], $0x80, s31, s14, $0xb8;
	[tilespmem:$0x18600] =	vst v63  }
0xfd: {  	_ =	swait.ge [sflag:s9], $0x4000  }
0xfe: {  	[sflag:s9] =	ssyncset.done $0x0  }
0xff: {  	[sflag:s9] =	ssyncadd.s32 $0xFFFFC000  }
0x100: {  	[hbm4b:s20+s2] =	stream.linear.scatter [tilespmem:s17], [sflag:$0x1], $0x4000, $0x38;
	[tilespmem:$0x18600] =	vst v63  }
0x101: {  	_ =	swait.ge [sflag:s6], $0x4000  }
0x102: {  	[sflag:s6] =	ssyncset.done $0x0  }
0x103: {  	s0 =	rddreg [dreg:$0x6];
	[sflag:s6] =	ssyncadd.s32 $0xFFFFC000  }
0x104: {  	[hbm4b:s0+s2] =	stream.linear.scatter [tilespmem:s16], [sflag:$0x3], $0x4000, $0x38;
	[tilespmem:$0x18600] =	vst v63  }
0x105: {  	_ =	swait.ge [sflag:s5], $0x4000  }
0x106: {  	[sflag:s5] =	ssyncset.done $0x0  }
0x107: {  	s31 =	rddreg [dreg:$0x7];
	[sflag:s5] =	ssyncadd.s32 $0xFFFFC000  }
0x108: {  	[hbm4b:s31+s2] =	stream.linear.scatter [tilespmem:s15], [sflag:$0x5], $0x4000, $0x38;
	[tilespmem:$0x18600] =	vst v63  }
0x109: {  	_ =	swait.ge [sflag:s10], $0x4000  }
0x10a: {  	[sflag:s10] =	ssyncset.done $0x0  }
0x10b: {  	s1 =	rddreg [dreg:$0x8];
	[sflag:s10] =	ssyncadd.s32 $0xFFFFC000  }
0x10c: {  	[hbm4b:s1+s2] =	stream.linear.scatter [tilespmem:s13], [sflag:$0x2], $0x4000, $0x38;
	[tilespmem:$0x18600] =	vst v63  }
0x10d: {  	_ =	swait.ge [sflag:s9], $0x4000  }
0x10e: {  	[sflag:s9] =	ssyncset.done $0x0  }
0x10f: {  	[sflag:s9] =	ssyncadd.s32 $0xFFFFC000  }
0x110: {  	[tilespmem:s17], [sflag:$0x1] =	stream.indirect.gather [hbm4b:s3+s14], $0x80, s24, s14, $0xb8;
	[tilespmem:$0x18600] =	vst v63  }
0x111: {  	_ =	swait.ge [sflag:s8], $0x4000  }
0x112: {  	[sflag:s8] =	ssyncset.done $0x0  }
0x113: {  	s20 =	rddreg [dreg:$0x9];
	[sflag:s8] =	ssyncadd.s32 $0xFFFFC000  }
0x114: {  	[hbm4b:s20+s2] =	stream.linear.scatter [tilespmem:s12], [sflag:$0x4], $0x4000, $0x38;
	[tilespmem:$0x18600] =	vst v63  }
0x115: {  	_ =	swait.ge [sflag:s6], $0x4000  }
0x116: {  	[sflag:s6] =	ssyncset.done $0x0  }
0x117: {  	[sflag:s6] =	ssyncadd.s32 $0xFFFFC000  }
0x118: {  	[tilespmem:s16], [sflag:$0x3] =	stream.indirect.gather [hbm4b:s4+s14], $0x80, s23, s14, $0xb8;
	[tilespmem:$0x18600] =	vst v63  }
0x119: {  	_ =	swait.ge [sflag:s7], $0x4000  }
0x11a: {  	[sflag:s7] =	ssyncset.done $0x0  }
0x11b: {  	s23 =	rddreg [dreg:$0xa];
	[sflag:s7] =	ssyncadd.s32 $0xFFFFC000  }
0x11c: {  	[hbm4b:s23+s2] =	stream.linear.scatter [tilespmem:s11], [sflag:$0x6], $0x4000, $0x38;
	[tilespmem:$0x18600] =	vst v63  }
0x11d: {  	_ =	swait.ge [sflag:s5], $0x4000  }
0x11e: {  	[sflag:s5] =	ssyncset.done $0x0  }
0x11f: {  	[sflag:s5] =	ssyncadd.s32 $0xFFFFC000  }
0x120: {  	[tilespmem:s15], [sflag:$0x5] =	stream.indirect.gather [hbm4b:s3+s14], $0x80, s22, s14, $0xb8;
	[tilespmem:$0x18600] =	vst v63  }
0x121: {  	_ =	swait.ge [sflag:s9], $0x4000  }
0x122: {  	[sflag:s9] =	ssyncset.done $0x0  }
0x123: {  	s24 =	rddreg [dreg:$0xb];
	[sflag:s9] =	ssyncadd.s32 $0xFFFFC000  }
0x124: {  	[hbm4b:s24+s2] =	stream.linear.scatter [tilespmem:s17], [sflag:$0x1], $0x4000, $0x38;
	[tilespmem:$0x18600] =	vst v63  }
0x125: {  	_ =	swait.ge [sflag:s10], $0x4000  }
0x126: {  	[sflag:s10] =	ssyncset.done $0x0  }
0x127: {  	[sflag:s10] =	ssyncadd.s32 $0xFFFFC000  }
0x128: {  	[tilespmem:s13], [sflag:$0x2] =	stream.indirect.gather [hbm4b:s3+s14], $0x80, s21, s14, $0xb8;
	[tilespmem:$0x18600] =	vst v63  }
0x129: {  	_ =	swait.ge [sflag:s6], $0x4000  }
0x12a: {  	[sflag:s6] =	ssyncset.done $0x0  }
0x12b: {  	s25 =	rddreg [dreg:$0xc];
	[sflag:s6] =	ssyncadd.s32 $0xFFFFC000  }
0x12c: {  	[hbm4b:s25+s2] =	stream.linear.scatter [tilespmem:s16], [sflag:$0x3], $0x4000, $0x38;
	[tilespmem:$0x18600] =	vst v63  }
0x12d: {  	_ =	swait.ge [sflag:s8], $0x4000  }
0x12e: {  	[sflag:s8] =	ssyncset.done $0x0  }
0x12f: {  	[sflag:s8] =	ssyncadd.s32 $0xFFFFC000  }
0x130: {  	[tilespmem:s12], [sflag:$0x4] =	stream.indirect.gather [hbm4b:s4+s14], $0x80, s19, s14, $0xb8;
	[tilespmem:$0x18600] =	vst v63  }
0x131: {  	_ =	swait.ge [sflag:s5], $0x4000  }
0x132: {  	[sflag:s5] =	ssyncset.done $0x0  }
0x133: {  	s26 =	rddreg [dreg:$0xd];
	[sflag:s5] =	ssyncadd.s32 $0xFFFFC000  }
0x134: {  	[hbm4b:s26+s2] =	stream.linear.scatter [tilespmem:s15], [sflag:$0x5], $0x4000, $0x38;
	[tilespmem:$0x18600] =	vst v63  }
0x135: {  	_ =	swait.ge [sflag:s7], $0x4000  }
0x136: {  	[sflag:s7] =	ssyncset.done $0x0  }
0x137: {  	[sflag:s7] =	ssyncadd.s32 $0xFFFFC000  }
0x138: {  	[tilespmem:s11], [sflag:$0x6] =	stream.indirect.gather [hbm4b:s3+s14], $0x80, s18, s14, $0xb8;
	[tilespmem:$0x18600] =	vst v63  }
0x139: {  	_ =	swait.ge [sflag:s10], $0x4000  }
0x13a: {  	[sflag:s10] =	ssyncset.done $0x0  }
0x13b: {  	s28 =	rddreg [dreg:$0xe];
	[sflag:s10] =	ssyncadd.s32 $0xFFFFC000  }
0x13c: {  	[hbm4b:s28+s2] =	stream.linear.scatter [tilespmem:s13], [sflag:$0x2], $0x4000, $0x38;
	[tilespmem:$0x18600] =	vst v63  }
0x13d: {  	_ =	swait.ge [sflag:s8], $0x4000  }
0x13e: {  	[sflag:s8] =	ssyncset.done $0x0  }
0x13f: {  	s29 =	rddreg [dreg:$0xf];
	[sflag:s8] =	ssyncadd.s32 $0xFFFFC000  }
0x140: {  	[hbm4b:s29+s2] =	stream.linear.scatter [tilespmem:s12], [sflag:$0x4], $0x4000, $0x38;
	[tilespmem:$0x18600] =	vst v63  }
0x141: {  	_ =	swait.ge [sflag:s7], $0x4000  }
0x142: {  	[sflag:s7] =	ssyncset.done $0x0  }
0x143: {  	s30 =	rddreg [dreg:$0x10];
	[sflag:s7] =	ssyncadd.s32 $0xFFFFC000  }
0x144: {  	[hbm4b:s30+s2] =	stream.linear.scatter [tilespmem:s11], [sflag:$0x6], $0x4000, $0x38;
	[tilespmem:$0x18600] =	vst v63  }
0x145: {  	_ =	swait.ge [sflag:s9], $0x4000  }
0x146: {  	[sflag:s9] =	ssyncset.done $0x0  }
0x147: {  	[sflag:s9] =	ssyncadd.s32 $0xFFFFC000  }
0x148: {  	_ =	swait.ge [sflag:s10], $0x4000  }
0x149: {  	[sflag:s10] =	ssyncset.done $0x0  }
0x14a: {  	[sflag:s10] =	ssyncadd.s32 $0xFFFFC000  }
0x14b: {  	_ =	swait.ge [sflag:s6], $0x4000  }
0x14c: {  	[sflag:s6] =	ssyncset.done $0x0  }
0x14d: {  	[sflag:s6] =	ssyncadd.s32 $0xFFFFC000  }
0x14e: {  	_ =	swait.ge [sflag:s8], $0x4000  }
0x14f: {  	[sflag:s8] =	ssyncset.done $0x0  }
0x150: {  	[sflag:s8] =	ssyncadd.s32 $0xFFFFC000  }
0x151: {  	_ =	swait.ge [sflag:s5], $0x4000  }
0x152: {  	[sflag:s5] =	ssyncset.done $0x0  }
0x153: {  	[sflag:s5] =	ssyncadd.s32 $0xFFFFC000  }
0x154: {  	_ =	swait.ge [sflag:s7], $0x4000  }
0x155: {  	[sflag:s7] =	ssyncset.done $0x0  }
0x156: {  	[sflag:s7] =	ssyncadd.s32 $0xFFFFC000  }
0x157: {  	_ =	sfence.sel $0x180000  }
0x158: {  	[bflag:$0x0] =	sbarrier.arrive $0xFFFF  }
0x159: {  	_ =	strace $0x90000047  }
0x15a: {  	s31 =	stileid.u32;
	[bflag:$0x2] =	sbarrier.arrive $0xFFFF  }
0x15b: {  	p0 =	sne.s32 s31, $0x0;
	s0 =	rddreg [dreg:$0x4]  }
0x15c: {  	s0 =	sadd.s32 @!p0 $0x100000, s0  }
0x15d: {  	[sflag:s0] =	ssyncadd.tile.s32 @!p0 $0x1;
	_ =	shalt  }
.Lfunc_end2:
_tile_overlayer_lowered:
.L_overlay_start_2:
0x15e: {  	(tag) =	ssettag $0x2  }
0x15f: {  	s0 =	rddreg [dreg:$0x0];
	s2 =	stileid.u32  }
0x160: {  	s1 =	rddreg [dreg:$0x1];
	p0 =	sne.s32 s2, $0x0  }
0x161: {  	s3 =	rddreg [dreg:$0x2];
	[bflag:$0x3] =	sbarrier.arrive $0xFFFF;
	s2 =	simm.s32 @!p0 $0x1C07  }
0x162: {  	[timem:s3], [sflag:s2] =	dma.local @!p0 [hbm:s0], s1  }
0x163: {  	s0 =	simm.s32 @!p0 $0x7  }
0x164: {  	_ =	swait.ge @!p0 [sflag:s0], s1  }
0x165: {  	s1 =	ssub.s32 @!p0 $0x0, s1;
	[sflag:s0] =	ssyncset.done @!p0 $0x0  }
0x166: {  	[sflag:s0] =	ssyncadd.s32 @!p0 s1  }
0x167: {  	[bflag:$0x3] =	sbarrier.arrive $0xFFFF  }
0x168: {  	_ =	shalt  }

</sc_bundles>
